<compile_context>
chip_gen: v7x
topology: tpu7x:2x2x1
jax: 0.10.2.dev20260603
libtpu: 0.0.44.dev20260713+nightly
codegen_flags: <defaults>
</compile_context>

<pallas_src>
import functools

import jax
import jax.numpy as jnp
import numpy as np
from jax import lax
from jax.experimental import pallas as pl
from jax.experimental.pallas import tpu as pltpu
from jax.experimental.pallas import tpu_sc as plsc

B = 4096
L = 200
D = 64
NUM_CORES = 2
NUM_SUBCORES = 16
NW = NUM_CORES * NUM_SUBCORES
NB = B // NW


def _pe_table() -> jnp.ndarray:
    pos = np.arange(L, dtype=np.float32)[:, None]
    i = np.arange(0, D, 2, dtype=np.float32)
    div = np.exp(-np.log(10000.0) * i / float(D))
    pe = np.zeros((L, D), dtype=np.float32)
    pe[:, 0::2] = np.sin(pos * div)
    pe[:, 1::2] = np.cos(pos * div)
    return jnp.asarray(pe)


_mesh = plsc.VectorSubcoreMesh(
    core_axis_name="c", subcore_axis_name="s",
    num_cores=NUM_CORES, num_subcores=NUM_SUBCORES)


@functools.partial(
    pl.kernel,
    out_type=jax.ShapeDtypeStruct((L, B, D), jnp.float32),
    mesh=_mesh,
    scratch_types=[
        pltpu.VMEM((2, NB), jnp.int32),
        pltpu.VMEM((2, NB, D), jnp.float32),
        pltpu.VMEM((L, D), jnp.float32),
        [pltpu.SemaphoreType.DMA] * 2,
        [pltpu.SemaphoreType.DMA] * 2,
        [pltpu.SemaphoreType.DMA] * 2,
    ],
    compiler_params=pltpu.CompilerParams(
        use_tc_tiling_on_sc=False, needs_layout_passes=False),
)
def _emb_sc(tgt_t_hbm, pe_hbm, table_hbm, out_hbm,
            idx_v, rows_v, pe_v, isem, gsem, osem):
    wid = lax.axis_index("s") * NUM_CORES + lax.axis_index("c")
    b0 = wid * NB
    pltpu.sync_copy(pe_hbm, pe_v)

    def idx_copy(l, b):
        return pltpu.make_async_copy(
            tgt_t_hbm.at[l, pl.ds(b0, NB)], idx_v.at[b], isem[b])

    def gather(b):
        return pltpu.make_async_copy(
            table_hbm.at[idx_v.at[b]], rows_v.at[b], gsem[b])

    def out_copy(l, b):
        return pltpu.make_async_copy(
            rows_v.at[b], out_hbm.at[l, pl.ds(b0, NB)], osem[b])

    idx_copy(0, 0).start()
    idx_copy(1, 1).start()
    idx_copy(0, 0).wait()
    gather(0).start()

    def step(l, b):
        @pl.when(l + 1 < L)
        def _():
            idx_copy(l + 1, 1 - b).wait()
            gather(1 - b).start()

        gather(b).wait()

        @pl.when(l + 2 < L)
        def _():
            idx_copy(l + 2, b).start()

        @pl.when(l >= 2)
        def _():
            out_copy(l - 2, b).wait()

        pe_r = [pe_v[l, pl.ds(16 * q, 16)] for q in range(D // 16)]

        def fuse(j, _):
            for q in range(D // 16):
                sl = pl.ds(16 * q, 16)
                rows_v[b, j, sl] = rows_v[b, j, sl] * 8.0 + pe_r[q]
            return 0

        lax.fori_loop(0, NB, fuse, 0, unroll=4)
        out_copy(l, b).start()

    def outer(g, _):
        for b in range(2):
            step(g * 2 + b, b)
        return 0

    lax.fori_loop(0, L // 2, outer, 0)

    out_copy(L - 2, 0).wait()
    out_copy(L - 1, 1).wait()


def _mask_body(o_ref):
    r = lax.broadcasted_iota(jnp.int32, (L, L), 0)
    c = lax.broadcasted_iota(jnp.int32, (L, L), 1)
    o_ref[...] = jnp.where(r >= c, jnp.float32(0.0), jnp.float32(-jnp.inf))


_mask_call = pl.pallas_call(
    _mask_body,
    out_shape=jax.ShapeDtypeStruct((L, L), jnp.float32),
)


def kernel(tgt, table):
    tgt_t = tgt.astype(jnp.int32).T
    out_t = _emb_sc(tgt_t, _pe_table(), table)
    emb = jnp.transpose(out_t, (1, 0, 2))
    return emb, _mask_call()

# --- scband reference (transcript-rebuilt; emitter-appended) ---
"""Pipeline reference for scband-sem-pre-31756988186870 (READ-ONLY COPY).

The authoritative reference and input builder live on the scoring server;
editing this copy changes nothing except your own understanding.
"""

import jax, jax.numpy as jnp
import numpy as np

B = 4096
L = 200
VOCAB = 1000000
D_MODEL = 64

def _positional_encoding(seq_len, d_model):
    pos = np.arange(seq_len, dtype=np.float32)[:, None]
    i = np.arange(0, d_model, 2, dtype=np.float32)
    div = np.exp(-np.log(10000.0) * i / float(d_model))
    pe = np.zeros((seq_len, d_model), dtype=np.float32)
    pe[:, 0::2] = np.sin(pos * div)
    pe[:, 1::2] = np.cos(pos * div)
    return jnp.asarray(pe)

def setup_inputs(seed: int = 0):
    key = jax.random.key(seed)
    k1, k2 = jax.random.split(key)
    tgt = jax.random.randint(k1, (B, L), 0, VOCAB, dtype=jnp.int64)
    table = jax.random.normal(k2, (VOCAB, D_MODEL), dtype=jnp.float32)
    return {"tgt": tgt, "table": table}

def reference(tgt, table):
    d_model = table.shape[1]
    seq_len = tgt.shape[1]
    # Embeddings: lookup scaled by sqrt(d_model)
    emb = jnp.take(table, tgt, axis=0) * jnp.sqrt(jnp.asarray(d_model, dtype=jnp.float32))
    # PositionalEncoding: add sinusoidal PE (dropout is identity in eval mode)
    emb = emb + _positional_encoding(seq_len, d_model)[None, :, :]
    # generate_square_subsequent_mask: 0.0 on lower triangle (incl diag), -inf above
    lower = jnp.tril(jnp.ones((seq_len, seq_len), dtype=bool))
    tgt_mask = jnp.where(lower, jnp.float32(0.0), jnp.float32(-jnp.inf))
    return (emb, tgt_mask)

if __name__ == "__main__":
    import jax
    _d = setup_inputs()
    print(jax.jit(kernel)(*tuple(_d.values())))

</pallas_src>

<mosaic_0001>
#map = affine_map<(d0, d1) -> (0, 0)>
#map1 = affine_map<(d0, d1) -> (0, 0, 0)>
module attributes {stable_mosaic.version = 14 : i64} {
  func.func @_emb_sc(%arg0: i32, %arg1: i32, %arg2: memref<200x4096xi32, #tpu.memory_space<hbm>>, %arg3: memref<200x64xf32, #tpu.memory_space<hbm>>, %arg4: memref<1000000x64xf32, #tpu.memory_space<hbm>>, %arg5: memref<200x4096x64xf32, #tpu.memory_space<hbm>>, %arg6: memref<2x128xi32, #tpu.memory_space<vmem>>, %arg7: memref<2x128x64xf32, #tpu.memory_space<vmem>>, %arg8: memref<200x64xf32, #tpu.memory_space<vmem>>, %arg9: memref<!tpu.dma_semaphore, #tpu.memory_space<semaphore_mem>>, %arg10: memref<!tpu.dma_semaphore, #tpu.memory_space<semaphore_mem>>, %arg11: memref<!tpu.dma_semaphore, #tpu.memory_space<semaphore_mem>>, %arg12: memref<!tpu.dma_semaphore, #tpu.memory_space<semaphore_mem>>, %arg13: memref<!tpu.dma_semaphore, #tpu.memory_space<semaphore_mem>>, %arg14: memref<!tpu.dma_semaphore, #tpu.memory_space<semaphore_mem>>) attributes {dimension_semantics = [#tpu.dimension_semantics<core_parallel>, #tpu.dimension_semantics<subcore_parallel>], iteration_bounds = array<i64: 2, 16>, scalar_prefetch = 0 : i64, scratch_operands = 9 : i64, tpu.core_type = #tpu.core_type<sc_vector_subcore>, window_params = [{transform_indices = #map}, {transform_indices = #map}, {transform_indices = #map}, {transform_indices = #map1}]} {
    %mul3A = arith.constant 2 : i32
    %mul3A_0 = arith.muli %arg1, %mul3A : i32
    %add3A = arith.addi %mul3A_0, %arg0 : i32
    %mul3A_1 = arith.constant 128 : i32
    %mul3A_2 = arith.muli %add3A, %mul3A_1 : i32
    "tpu.region"() ({
      %run_scoped3A = tpu.sem_alloc : memref<!tpu.dma_semaphore, #tpu.memory_space<semaphore_mem>>
      tpu.enqueue_dma source(%arg3 : memref<200x64xf32, #tpu.memory_space<hbm>>) target(%arg8 : memref<200x64xf32, #tpu.memory_space<vmem>>) target_semaphore(%run_scoped3A : memref<!tpu.dma_semaphore, #tpu.memory_space<semaphore_mem>>)
      tpu.wait_dma2 semaphore(%run_scoped3A : memref<!tpu.dma_semaphore, #tpu.memory_space<semaphore_mem>>) src(%arg3 : memref<200x64xf32, #tpu.memory_space<hbm>>) dst(%arg8 : memref<200x64xf32, #tpu.memory_space<vmem>>)
      tpu.yield
    }) : () -> ()
    %dma_start3A = arith.constant 0 : i32
    %dma_start3A_3 = arith.constant 0 : i32
    %dma_start3A_4 = arith.constant 0 : i32
    %dma_start3A_5 = tpu.memref_slice %arg6[%dma_start3A_3, %dma_start3A_4] : memref<2x128xi32, #tpu.memory_space<vmem>> -> memref<1x128xi32, #tpu.memory_space<vmem>>
    %dma_start3A_6 = tpu.memref_squeeze %dma_start3A_5 : memref<1x128xi32, #tpu.memory_space<vmem>> -> memref<128xi32, #tpu.memory_space<vmem>>
    %dma_start3A_7 = tpu.memref_slice %arg2[%dma_start3A, %mul3A_2] : memref<200x4096xi32, #tpu.memory_space<hbm>> -> memref<1x128xi32, #tpu.memory_space<hbm>>
    %dma_start3A_8 = tpu.memref_squeeze %dma_start3A_7 : memref<1x128xi32, #tpu.memory_space<hbm>> -> memref<128xi32, #tpu.memory_space<hbm>>
    %dma_start3A_9 = arith.constant 0 : i32
    %dma_start3A_10 = tpu.memref_slice %arg6[%dma_start3A_3, %dma_start3A_9] : memref<2x128xi32, #tpu.memory_space<vmem>> -> memref<1x128xi32, #tpu.memory_space<vmem>>
    %dma_start3A_11 = tpu.memref_squeeze %dma_start3A_10 : memref<1x128xi32, #tpu.memory_space<vmem>> -> memref<128xi32, #tpu.memory_space<vmem>>
    %dma_start3A_12 = tpu.memref_slice %arg2[%dma_start3A, %mul3A_2] : memref<200x4096xi32, #tpu.memory_space<hbm>> -> memref<1x128xi32, #tpu.memory_space<hbm>>
    %dma_start3A_13 = tpu.memref_squeeze %dma_start3A_12 : memref<1x128xi32, #tpu.memory_space<hbm>> -> memref<128xi32, #tpu.memory_space<hbm>>
    tpu.enqueue_dma source(%dma_start3A_13 : memref<128xi32, #tpu.memory_space<hbm>>) target(%dma_start3A_11 : memref<128xi32, #tpu.memory_space<vmem>>) target_semaphore(%arg9 : memref<!tpu.dma_semaphore, #tpu.memory_space<semaphore_mem>>)
    %dma_start3A_14 = arith.constant 1 : i32
    %dma_start3A_15 = arith.constant 1 : i32
    %dma_start3A_16 = arith.constant 0 : i32
    %dma_start3A_17 = tpu.memref_slice %arg6[%dma_start3A_15, %dma_start3A_16] : memref<2x128xi32, #tpu.memory_space<vmem>> -> memref<1x128xi32, #tpu.memory_space<vmem>>
    %dma_start3A_18 = tpu.memref_squeeze %dma_start3A_17 : memref<1x128xi32, #tpu.memory_space<vmem>> -> memref<128xi32, #tpu.memory_space<vmem>>
    %dma_start3A_19 = tpu.memref_slice %arg2[%dma_start3A_14, %mul3A_2] : memref<200x4096xi32, #tpu.memory_space<hbm>> -> memref<1x128xi32, #tpu.memory_space<hbm>>
    %dma_start3A_20 = tpu.memref_squeeze %dma_start3A_19 : memref<1x128xi32, #tpu.memory_space<hbm>> -> memref<128xi32, #tpu.memory_space<hbm>>
    %dma_start3A_21 = arith.constant 0 : i32
    %dma_start3A_22 = tpu.memref_slice %arg6[%dma_start3A_15, %dma_start3A_21] : memref<2x128xi32, #tpu.memory_space<vmem>> -> memref<1x128xi32, #tpu.memory_space<vmem>>
    %dma_start3A_23 = tpu.memref_squeeze %dma_start3A_22 : memref<1x128xi32, #tpu.memory_space<vmem>> -> memref<128xi32, #tpu.memory_space<vmem>>
    %dma_start3A_24 = tpu.memref_slice %arg2[%dma_start3A_14, %mul3A_2] : memref<200x4096xi32, #tpu.memory_space<hbm>> -> memref<1x128xi32, #tpu.memory_space<hbm>>
    %dma_start3A_25 = tpu.memref_squeeze %dma_start3A_24 : memref<1x128xi32, #tpu.memory_space<hbm>> -> memref<128xi32, #tpu.memory_space<hbm>>
    tpu.enqueue_dma source(%dma_start3A_25 : memref<128xi32, #tpu.memory_space<hbm>>) target(%dma_start3A_23 : memref<128xi32, #tpu.memory_space<vmem>>) target_semaphore(%arg10 : memref<!tpu.dma_semaphore, #tpu.memory_space<semaphore_mem>>)
    %dma_wait3A = arith.constant 0 : i32
    %dma_wait3A_26 = arith.constant 0 : i32
    %dma_wait3A_27 = arith.constant 0 : i32
    %dma_wait3A_28 = tpu.memref_slice %arg6[%dma_wait3A_26, %dma_wait3A_27] : memref<2x128xi32, #tpu.memory_space<vmem>> -> memref<1x128xi32, #tpu.memory_space<vmem>>
    %dma_wait3A_29 = tpu.memref_squeeze %dma_wait3A_28 : memref<1x128xi32, #tpu.memory_space<vmem>> -> memref<128xi32, #tpu.memory_space<vmem>>
    %dma_wait3A_30 = tpu.memref_slice %arg2[%dma_wait3A, %mul3A_2] : memref<200x4096xi32, #tpu.memory_space<hbm>> -> memref<1x128xi32, #tpu.memory_space<hbm>>
    %dma_wait3A_31 = tpu.memref_squeeze %dma_wait3A_30 : memref<1x128xi32, #tpu.memory_space<hbm>> -> memref<128xi32, #tpu.memory_space<hbm>>
    %dma_wait3A_32 = arith.constant 0 : i32
    %dma_wait3A_33 = tpu.memref_slice %arg6[%dma_wait3A_26, %dma_wait3A_32] : memref<2x128xi32, #tpu.memory_space<vmem>> -> memref<1x128xi32, #tpu.memory_space<vmem>>
    %dma_wait3A_34 = tpu.memref_squeeze %dma_wait3A_33 : memref<1x128xi32, #tpu.memory_space<vmem>> -> memref<128xi32, #tpu.memory_space<vmem>>
    %dma_wait3A_35 = tpu.memref_slice %arg2[%dma_wait3A, %mul3A_2] : memref<200x4096xi32, #tpu.memory_space<hbm>> -> memref<1x128xi32, #tpu.memory_space<hbm>>
    %dma_wait3A_36 = tpu.memref_squeeze %dma_wait3A_35 : memref<1x128xi32, #tpu.memory_space<hbm>> -> memref<128xi32, #tpu.memory_space<hbm>>
    tpu.wait_dma2 semaphore(%arg9 : memref<!tpu.dma_semaphore, #tpu.memory_space<semaphore_mem>>) src(%dma_wait3A_36 : memref<128xi32, #tpu.memory_space<hbm>>) dst(%dma_wait3A_34 : memref<128xi32, #tpu.memory_space<vmem>>)
    %dma_start3A_37 = arith.constant 0 : i32
    %dma_start3A_38 = arith.constant 0 : i32
    %dma_start3A_39 = arith.constant 0 : i32
    %dma_start3A_40 = arith.constant 0 : i32
    %dma_start3A_41 = tpu.memref_slice %arg7[%dma_start3A_38, %dma_start3A_39, %dma_start3A_40] : memref<2x128x64xf32, #tpu.memory_space<vmem>> -> memref<1x128x64xf32, #tpu.memory_space<vmem>>
    %dma_start3A_42 = tpu.memref_squeeze %dma_start3A_41 : memref<1x128x64xf32, #tpu.memory_space<vmem>> -> memref<128x64xf32, #tpu.memory_space<vmem>>
    %dma_start3A_43 = arith.constant 0 : i32
    %dma_start3A_44 = tpu.memref_slice %arg6[%dma_start3A_37, %dma_start3A_43] : memref<2x128xi32, #tpu.memory_space<vmem>> -> memref<1x128xi32, #tpu.memory_space<vmem>>
    %dma_start3A_45 = tpu.memref_squeeze %dma_start3A_44 : memref<1x128xi32, #tpu.memory_space<vmem>> -> memref<128xi32, #tpu.memory_space<vmem>>
    %dma_start3A_46 = arith.constant 0 : i32
    %dma_start3A_47 = arith.constant 0 : i32
    %dma_start3A_48 = tpu.memref_slice %arg4[%dma_start3A_46, %dma_start3A_47] : memref<1000000x64xf32, #tpu.memory_space<hbm>> -> memref<1000000x64xf32, #tpu.memory_space<hbm>>
    tpu.enqueue_indirect_dma source(%dma_start3A_48 : memref<1000000x64xf32, #tpu.memory_space<hbm>>) target(%dma_start3A_42 : memref<128x64xf32, #tpu.memory_space<vmem>>) offsets(%dma_start3A_45 : memref<128xi32, #tpu.memory_space<vmem>>) semaphore(%arg11 : memref<!tpu.dma_semaphore, #tpu.memory_space<semaphore_mem>>)
    %scan3A = arith.constant 0 : i32
    %scan3A_49 = arith.constant 0 : i32
    %scan3A_50 = arith.constant 100 : i32
    %scan3A_51 = arith.addi %scan3A_49, %scan3A_50 : i32
    %scan3A_52 = arith.constant 1 : i32
    %scan3A_53 = scf.for %scan3A_87 = %scan3A_49 to %scan3A_51 step %scan3A_52 iter_args(%scan3A_88 = %scan3A) -> (i32)  : i32 {
      %mul3A_89 = arith.constant 2 : i32
      %mul3A_90 = arith.muli %scan3A_87, %mul3A_89 : i32
      %add3A_91 = arith.constant 0 : i32
      %add3A_92 = arith.addi %mul3A_90, %add3A_91 : i32
      %add3A_93 = arith.constant 1 : i32
      %add3A_94 = arith.addi %add3A_92, %add3A_93 : i32
      %lt3A = arith.constant 200 : i32
      %lt3A_95 = arith.cmpi slt, %add3A_94, %lt3A : i32
      %convert_element_type3A = arith.extui %lt3A_95 : i1 to i32
      %cond3A = arith.constant 0 : i32
      %cond3A_96 = arith.cmpi ne, %convert_element_type3A, %cond3A : i32
      scf.if %cond3A_96 {
        %add3A_223 = arith.constant 1 : i32
        %add3A_224 = arith.addi %add3A_92, %add3A_223 : i32
        %dma_wait3A_225 = arith.constant 1 : i32
        %dma_wait3A_226 = arith.constant 0 : i32
        %dma_wait3A_227 = tpu.memref_slice %arg6[%dma_wait3A_225, %dma_wait3A_226] : memref<2x128xi32, #tpu.memory_space<vmem>> -> memref<1x128xi32, #tpu.memory_space<vmem>>
        %dma_wait3A_228 = tpu.memref_squeeze %dma_wait3A_227 : memref<1x128xi32, #tpu.memory_space<vmem>> -> memref<128xi32, #tpu.memory_space<vmem>>
        %dma_wait3A_229 = tpu.memref_slice %arg2[%add3A_224, %mul3A_2] : memref<200x4096xi32, #tpu.memory_space<hbm>> -> memref<1x128xi32, #tpu.memory_space<hbm>>
        %dma_wait3A_230 = tpu.memref_squeeze %dma_wait3A_229 : memref<1x128xi32, #tpu.memory_space<hbm>> -> memref<128xi32, #tpu.memory_space<hbm>>
        %dma_wait3A_231 = arith.constant 0 : i32
        %dma_wait3A_232 = tpu.memref_slice %arg6[%dma_wait3A_225, %dma_wait3A_231] : memref<2x128xi32, #tpu.memory_space<vmem>> -> memref<1x128xi32, #tpu.memory_space<vmem>>
        %dma_wait3A_233 = tpu.memref_squeeze %dma_wait3A_232 : memref<1x128xi32, #tpu.memory_space<vmem>> -> memref<128xi32, #tpu.memory_space<vmem>>
        %dma_wait3A_234 = tpu.memref_slice %arg2[%add3A_224, %mul3A_2] : memref<200x4096xi32, #tpu.memory_space<hbm>> -> memref<1x128xi32, #tpu.memory_space<hbm>>
        %dma_wait3A_235 = tpu.memref_squeeze %dma_wait3A_234 : memref<1x128xi32, #tpu.memory_space<hbm>> -> memref<128xi32, #tpu.memory_space<hbm>>
        tpu.wait_dma2 semaphore(%arg10 : memref<!tpu.dma_semaphore, #tpu.memory_space<semaphore_mem>>) src(%dma_wait3A_235 : memref<128xi32, #tpu.memory_space<hbm>>) dst(%dma_wait3A_233 : memref<128xi32, #tpu.memory_space<vmem>>)
        %dma_start3A_236 = arith.constant 1 : i32
        %dma_start3A_237 = arith.constant 1 : i32
        %dma_start3A_238 = arith.constant 0 : i32
        %dma_start3A_239 = arith.constant 0 : i32
        %dma_start3A_240 = tpu.memref_slice %arg7[%dma_start3A_237, %dma_start3A_238, %dma_start3A_239] : memref<2x128x64xf32, #tpu.memory_space<vmem>> -> memref<1x128x64xf32, #tpu.memory_space<vmem>>
        %dma_start3A_241 = tpu.memref_squeeze %dma_start3A_240 : memref<1x128x64xf32, #tpu.memory_space<vmem>> -> memref<128x64xf32, #tpu.memory_space<vmem>>
        %dma_start3A_242 = arith.constant 0 : i32
        %dma_start3A_243 = tpu.memref_slice %arg6[%dma_start3A_236, %dma_start3A_242] : memref<2x128xi32, #tpu.memory_space<vmem>> -> memref<1x128xi32, #tpu.memory_space<vmem>>
        %dma_start3A_244 = tpu.memref_squeeze %dma_start3A_243 : memref<1x128xi32, #tpu.memory_space<vmem>> -> memref<128xi32, #tpu.memory_space<vmem>>
        %dma_start3A_245 = arith.constant 0 : i32
        %dma_start3A_246 = arith.constant 0 : i32
        %dma_start3A_247 = tpu.memref_slice %arg4[%dma_start3A_245, %dma_start3A_246] : memref<1000000x64xf32, #tpu.memory_space<hbm>> -> memref<1000000x64xf32, #tpu.memory_space<hbm>>
        tpu.enqueue_indirect_dma source(%dma_start3A_247 : memref<1000000x64xf32, #tpu.memory_space<hbm>>) target(%dma_start3A_241 : memref<128x64xf32, #tpu.memory_space<vmem>>) offsets(%dma_start3A_244 : memref<128xi32, #tpu.memory_space<vmem>>) semaphore(%arg12 : memref<!tpu.dma_semaphore, #tpu.memory_space<semaphore_mem>>)
      } else {
      }
      %dma_wait3A_97 = arith.constant 0 : i32
      %dma_wait3A_98 = arith.constant 0 : i32
      %dma_wait3A_99 = arith.constant 0 : i32
      %dma_wait3A_100 = arith.constant 0 : i32
      %dma_wait3A_101 = tpu.memref_slice %arg7[%dma_wait3A_98, %dma_wait3A_99, %dma_wait3A_100] : memref<2x128x64xf32, #tpu.memory_space<vmem>> -> memref<1x128x64xf32, #tpu.memory_space<vmem>>
      %dma_wait3A_102 = tpu.memref_squeeze %dma_wait3A_101 : memref<1x128x64xf32, #tpu.memory_space<vmem>> -> memref<128x64xf32, #tpu.memory_space<vmem>>
      %dma_wait3A_103 = arith.constant 0 : i32
      %dma_wait3A_104 = tpu.memref_slice %arg6[%dma_wait3A_97, %dma_wait3A_103] : memref<2x128xi32, #tpu.memory_space<vmem>> -> memref<1x128xi32, #tpu.memory_space<vmem>>
      %dma_wait3A_105 = tpu.memref_squeeze %dma_wait3A_104 : memref<1x128xi32, #tpu.memory_space<vmem>> -> memref<128xi32, #tpu.memory_space<vmem>>
      %dma_wait3A_106 = arith.constant 0 : i32
      %dma_wait3A_107 = arith.constant 0 : i32
      %dma_wait3A_108 = tpu.memref_slice %arg4[%dma_wait3A_106, %dma_wait3A_107] : memref<1000000x64xf32, #tpu.memory_space<hbm>> -> memref<1000000x64xf32, #tpu.memory_space<hbm>>
      tpu.wait_indirect_dma semaphore(%arg11 : memref<!tpu.dma_semaphore, #tpu.memory_space<semaphore_mem>>) src(%dma_wait3A_108 : memref<1000000x64xf32, #tpu.memory_space<hbm>>) dst(%dma_wait3A_102 : memref<128x64xf32, #tpu.memory_space<vmem>>)
      %add3A_109 = arith.constant 2 : i32
      %add3A_110 = arith.addi %add3A_92, %add3A_109 : i32
      %lt3A_111 = arith.constant 200 : i32
      %lt3A_112 = arith.cmpi slt, %add3A_110, %lt3A_111 : i32
      %convert_element_type3A_113 = arith.extui %lt3A_112 : i1 to i32
      %cond3A_114 = arith.constant 0 : i32
      %cond3A_115 = arith.cmpi ne, %convert_element_type3A_113, %cond3A_114 : i32
      scf.if %cond3A_115 {
        %add3A_223 = arith.constant 2 : i32
        %add3A_224 = arith.addi %add3A_92, %add3A_223 : i32
        %dma_start3A_225 = arith.constant 0 : i32
        %dma_start3A_226 = arith.constant 0 : i32
        %dma_start3A_227 = tpu.memref_slice %arg6[%dma_start3A_225, %dma_start3A_226] : memref<2x128xi32, #tpu.memory_space<vmem>> -> memref<1x128xi32, #tpu.memory_space<vmem>>
        %dma_start3A_228 = tpu.memref_squeeze %dma_start3A_227 : memref<1x128xi32, #tpu.memory_space<vmem>> -> memref<128xi32, #tpu.memory_space<vmem>>
        %dma_start3A_229 = tpu.memref_slice %arg2[%add3A_224, %mul3A_2] : memref<200x4096xi32, #tpu.memory_space<hbm>> -> memref<1x128xi32, #tpu.memory_space<hbm>>
        %dma_start3A_230 = tpu.memref_squeeze %dma_start3A_229 : memref<1x128xi32, #tpu.memory_space<hbm>> -> memref<128xi32, #tpu.memory_space<hbm>>
        %dma_start3A_231 = arith.constant 0 : i32
        %dma_start3A_232 = tpu.memref_slice %arg6[%dma_start3A_225, %dma_start3A_231] : memref<2x128xi32, #tpu.memory_space<vmem>> -> memref<1x128xi32, #tpu.memory_space<vmem>>
        %dma_start3A_233 = tpu.memref_squeeze %dma_start3A_232 : memref<1x128xi32, #tpu.memory_space<vmem>> -> memref<128xi32, #tpu.memory_space<vmem>>
        %dma_start3A_234 = tpu.memref_slice %arg2[%add3A_224, %mul3A_2] : memref<200x4096xi32, #tpu.memory_space<hbm>> -> memref<1x128xi32, #tpu.memory_space<hbm>>
        %dma_start3A_235 = tpu.memref_squeeze %dma_start3A_234 : memref<1x128xi32, #tpu.memory_space<hbm>> -> memref<128xi32, #tpu.memory_space<hbm>>
        tpu.enqueue_dma source(%dma_start3A_235 : memref<128xi32, #tpu.memory_space<hbm>>) target(%dma_start3A_233 : memref<128xi32, #tpu.memory_space<vmem>>) target_semaphore(%arg9 : memref<!tpu.dma_semaphore, #tpu.memory_space<semaphore_mem>>)
      } else {
      }
      %ge3A = arith.constant 2 : i32
      %ge3A_116 = arith.cmpi sge, %add3A_92, %ge3A : i32
      %convert_element_type3A_117 = arith.extui %ge3A_116 : i1 to i32
      %cond3A_118 = arith.constant 0 : i32
      %cond3A_119 = arith.cmpi ne, %convert_element_type3A_117, %cond3A_118 : i32
      scf.if %cond3A_119 {
        %sub3A = arith.constant 2 : i32
        %sub3A_223 = arith.subi %add3A_92, %sub3A : i32
        %dma_wait3A_224 = arith.constant 0 : i32
        %dma_wait3A_225 = arith.constant 0 : i32
        %dma_wait3A_226 = arith.constant 0 : i32
        %dma_wait3A_227 = tpu.memref_slice %arg7[%dma_wait3A_224, %dma_wait3A_225, %dma_wait3A_226] : memref<2x128x64xf32, #tpu.memory_space<vmem>> -> memref<1x128x64xf32, #tpu.memory_space<vmem>>
        %dma_wait3A_228 = tpu.memref_squeeze %dma_wait3A_227 : memref<1x128x64xf32, #tpu.memory_space<vmem>> -> memref<128x64xf32, #tpu.memory_space<vmem>>
        %dma_wait3A_229 = arith.constant 0 : i32
        %dma_wait3A_230 = tpu.memref_slice %arg5[%sub3A_223, %mul3A_2, %dma_wait3A_229] : memref<200x4096x64xf32, #tpu.memory_space<hbm>> -> memref<1x128x64xf32, #tpu.memory_space<hbm>>
        %dma_wait3A_231 = tpu.memref_squeeze %dma_wait3A_230 : memref<1x128x64xf32, #tpu.memory_space<hbm>> -> memref<128x64xf32, #tpu.memory_space<hbm>>
        %dma_wait3A_232 = arith.constant 0 : i32
        %dma_wait3A_233 = tpu.memref_slice %arg5[%sub3A_223, %mul3A_2, %dma_wait3A_232] : memref<200x4096x64xf32, #tpu.memory_space<hbm>> -> memref<1x128x64xf32, #tpu.memory_space<hbm>>
        %dma_wait3A_234 = tpu.memref_squeeze %dma_wait3A_233 : memref<1x128x64xf32, #tpu.memory_space<hbm>> -> memref<128x64xf32, #tpu.memory_space<hbm>>
        %dma_wait3A_235 = arith.constant 0 : i32
        %dma_wait3A_236 = arith.constant 0 : i32
        %dma_wait3A_237 = tpu.memref_slice %arg7[%dma_wait3A_224, %dma_wait3A_235, %dma_wait3A_236] : memref<2x128x64xf32, #tpu.memory_space<vmem>> -> memref<1x128x64xf32, #tpu.memory_space<vmem>>
        %dma_wait3A_238 = tpu.memref_squeeze %dma_wait3A_237 : memref<1x128x64xf32, #tpu.memory_space<vmem>> -> memref<128x64xf32, #tpu.memory_space<vmem>>
        tpu.wait_dma2 semaphore(%arg13 : memref<!tpu.dma_semaphore, #tpu.memory_space<semaphore_mem>>) src(%dma_wait3A_238 : memref<128x64xf32, #tpu.memory_space<vmem>>) dst(%dma_wait3A_234 : memref<128x64xf32, #tpu.memory_space<hbm>>)
      } else {
      }
      %get3A = arith.index_cast %add3A_92 : i32 to index
      %get3A_120 = arith.constant 0 : index
      %get3A_121 = tpu.vector_load %arg8[%get3A, %get3A_120] {strides = array<i32>} : memref<200x64xf32, #tpu.memory_space<vmem>>, vector<16xf32>,
      %get3A_122 = arith.index_cast %add3A_92 : i32 to index
      %get3A_123 = arith.constant 16 : index
      %get3A_124 = tpu.vector_load %arg8[%get3A_122, %get3A_123] {strides = array<i32>} : memref<200x64xf32, #tpu.memory_space<vmem>>, vector<16xf32>,
      %get3A_125 = arith.index_cast %add3A_92 : i32 to index
      %get3A_126 = arith.constant 32 : index
      %get3A_127 = tpu.vector_load %arg8[%get3A_125, %get3A_126] {strides = array<i32>} : memref<200x64xf32, #tpu.memory_space<vmem>>, vector<16xf32>,
      %get3A_128 = arith.index_cast %add3A_92 : i32 to index
      %get3A_129 = arith.constant 48 : index
      %get3A_130 = tpu.vector_load %arg8[%get3A_128, %get3A_129] {strides = array<i32>} : memref<200x64xf32, #tpu.memory_space<vmem>>, vector<16xf32>,
      %scan3A_131 = arith.constant 0 : i32
      %scan3A_132 = arith.constant 0 : i32
      %scan3A_133 = arith.constant 128 : i32
      %scan3A_134 = arith.addi %scan3A_132, %scan3A_133 : i32
      %scan3A_135 = arith.constant 4 : i32
      %scan3A_136 = scf.for %scan3A_223 = %scan3A_132 to %scan3A_134 step %scan3A_135 iter_args(%scan3A_224 = %scan3A_131) -> (i32)  : i32 {
        %get3A_225 = arith.constant 0 : i32
        %get3A_226 = arith.index_cast %get3A_225 : i32 to index
        %get3A_227 = arith.index_cast %scan3A_223 : i32 to index
        %get3A_228 = arith.constant 0 : index
        %get3A_229 = tpu.vector_load %arg7[%get3A_226, %get3A_227, %get3A_228] {strides = array<i32>} : memref<2x128x64xf32, #tpu.memory_space<vmem>>, vector<16xf32>,
        %mul3A_230 = arith.constant 8.000000e+00 : f32
        %mul3A_231 = vector.broadcast %mul3A_230 : f32 to vector<16xf32>
        %mul3A_232 = arith.mulf %get3A_229, %mul3A_231 : vector<16xf32>
        %add3A_233 = arith.addf %mul3A_232, %get3A_121 : vector<16xf32>
        %swap3A = arith.constant 0 : i32
        %swap3A_234 = arith.index_cast %swap3A : i32 to index
        %swap3A_235 = arith.index_cast %scan3A_223 : i32 to index
        %swap3A_236 = arith.constant 0 : index
        %swap3A_237 = tpu.vector_load %arg7[%swap3A_234, %swap3A_235, %swap3A_236] {strides = array<i32>} : memref<2x128x64xf32, #tpu.memory_space<vmem>>, vector<16xf32>,
        tpu.vector_store %arg7[%swap3A_234, %swap3A_235, %swap3A_236], %add3A_233 {strides = array<i32>} : memref<2x128x64xf32, #tpu.memory_space<vmem>>, vector<16xf32>,
        %get3A_238 = arith.constant 0 : i32
        %get3A_239 = arith.index_cast %get3A_238 : i32 to index
        %get3A_240 = arith.index_cast %scan3A_223 : i32 to index
        %get3A_241 = arith.constant 16 : index
        %get3A_242 = tpu.vector_load %arg7[%get3A_239, %get3A_240, %get3A_241] {strides = array<i32>} : memref<2x128x64xf32, #tpu.memory_space<vmem>>, vector<16xf32>,
        %mul3A_243 = arith.constant 8.000000e+00 : f32
        %mul3A_244 = vector.broadcast %mul3A_243 : f32 to vector<16xf32>
        %mul3A_245 = arith.mulf %get3A_242, %mul3A_244 : vector<16xf32>
        %add3A_246 = arith.addf %mul3A_245, %get3A_124 : vector<16xf32>
        %swap3A_247 = arith.constant 0 : i32
        %swap3A_248 = arith.index_cast %swap3A_247 : i32 to index
        %swap3A_249 = arith.index_cast %scan3A_223 : i32 to index
        %swap3A_250 = arith.constant 16 : index
        %swap3A_251 = tpu.vector_load %arg7[%swap3A_248, %swap3A_249, %swap3A_250] {strides = array<i32>} : memref<2x128x64xf32, #tpu.memory_space<vmem>>, vector<16xf32>,
        tpu.vector_store %arg7[%swap3A_248, %swap3A_249, %swap3A_250], %add3A_246 {strides = array<i32>} : memref<2x128x64xf32, #tpu.memory_space<vmem>>, vector<16xf32>,
        %get3A_252 = arith.constant 0 : i32
        %get3A_253 = arith.index_cast %get3A_252 : i32 to index
        %get3A_254 = arith.index_cast %scan3A_223 : i32 to index
        %get3A_255 = arith.constant 32 : index
        %get3A_256 = tpu.vector_load %arg7[%get3A_253, %get3A_254, %get3A_255] {strides = array<i32>} : memref<2x128x64xf32, #tpu.memory_space<vmem>>, vector<16xf32>,
        %mul3A_257 = arith.constant 8.000000e+00 : f32
        %mul3A_258 = vector.broadcast %mul3A_257 : f32 to vector<16xf32>
        %mul3A_259 = arith.mulf %get3A_256, %mul3A_258 : vector<16xf32>
        %add3A_260 = arith.addf %mul3A_259, %get3A_127 : vector<16xf32>
        %swap3A_261 = arith.constant 0 : i32
        %swap3A_262 = arith.index_cast %swap3A_261 : i32 to index
        %swap3A_263 = arith.index_cast %scan3A_223 : i32 to index
        %swap3A_264 = arith.constant 32 : index
        %swap3A_265 = tpu.vector_load %arg7[%swap3A_262, %swap3A_263, %swap3A_264] {strides = array<i32>} : memref<2x128x64xf32, #tpu.memory_space<vmem>>, vector<16xf32>,
        tpu.vector_store %arg7[%swap3A_262, %swap3A_263, %swap3A_264], %add3A_260 {strides = array<i32>} : memref<2x128x64xf32, #tpu.memory_space<vmem>>, vector<16xf32>,
        %get3A_266 = arith.constant 0 : i32
        %get3A_267 = arith.index_cast %get3A_266 : i32 to index
        %get3A_268 = arith.index_cast %scan3A_223 : i32 to index
        %get3A_269 = arith.constant 48 : index
        %get3A_270 = tpu.vector_load %arg7[%get3A_267, %get3A_268, %get3A_269] {strides = array<i32>} : memref<2x128x64xf32, #tpu.memory_space<vmem>>, vector<16xf32>,
        %mul3A_271 = arith.constant 8.000000e+00 : f32
        %mul3A_272 = vector.broadcast %mul3A_271 : f32 to vector<16xf32>
        %mul3A_273 = arith.mulf %get3A_270, %mul3A_272 : vector<16xf32>
        %add3A_274 = arith.addf %mul3A_273, %get3A_130 : vector<16xf32>
        %swap3A_275 = arith.constant 0 : i32
        %swap3A_276 = arith.index_cast %swap3A_275 : i32 to index
        %swap3A_277 = arith.index_cast %scan3A_223 : i32 to index
        %swap3A_278 = arith.constant 48 : index
        %swap3A_279 = tpu.vector_load %arg7[%swap3A_276, %swap3A_277, %swap3A_278] {strides = array<i32>} : memref<2x128x64xf32, #tpu.memory_space<vmem>>, vector<16xf32>,
        tpu.vector_store %arg7[%swap3A_276, %swap3A_277, %swap3A_278], %add3A_274 {strides = array<i32>} : memref<2x128x64xf32, #tpu.memory_space<vmem>>, vector<16xf32>,
        %scan3A_280 = arith.constant 0 : i32
        %scan3A_281 = arith.constant 1 : i32
        %scan3A_282 = arith.addi %scan3A_223, %scan3A_281 : i32
        %get3A_283 = arith.constant 0 : i32
        %get3A_284 = arith.index_cast %get3A_283 : i32 to index
        %get3A_285 = arith.index_cast %scan3A_282 : i32 to index
        %get3A_286 = arith.constant 0 : index
        %get3A_287 = tpu.vector_load %arg7[%get3A_284, %get3A_285, %get3A_286] {strides = array<i32>} : memref<2x128x64xf32, #tpu.memory_space<vmem>>, vector<16xf32>,
        %mul3A_288 = arith.constant 8.000000e+00 : f32
        %mul3A_289 = vector.broadcast %mul3A_288 : f32 to vector<16xf32>
        %mul3A_290 = arith.mulf %get3A_287, %mul3A_289 : vector<16xf32>
        %add3A_291 = arith.addf %mul3A_290, %get3A_121 : vector<16xf32>
        %swap3A_292 = arith.constant 0 : i32
        %swap3A_293 = arith.index_cast %swap3A_292 : i32 to index
        %swap3A_294 = arith.index_cast %scan3A_282 : i32 to index
        %swap3A_295 = arith.constant 0 : index
        %swap3A_296 = tpu.vector_load %arg7[%swap3A_293, %swap3A_294, %swap3A_295] {strides = array<i32>} : memref<2x128x64xf32, #tpu.memory_space<vmem>>, vector<16xf32>,
        tpu.vector_store %arg7[%swap3A_293, %swap3A_294, %swap3A_295], %add3A_291 {strides = array<i32>} : memref<2x128x64xf32, #tpu.memory_space<vmem>>, vector<16xf32>,
        %get3A_297 = arith.constant 0 : i32
        %get3A_298 = arith.index_cast %get3A_297 : i32 to index
        %get3A_299 = arith.index_cast %scan3A_282 : i32 to index
        %get3A_300 = arith.constant 16 : index
        %get3A_301 = tpu.vector_load %arg7[%get3A_298, %get3A_299, %get3A_300] {strides = array<i32>} : memref<2x128x64xf32, #tpu.memory_space<vmem>>, vector<16xf32>,
        %mul3A_302 = arith.constant 8.000000e+00 : f32
        %mul3A_303 = vector.broadcast %mul3A_302 : f32 to vector<16xf32>
        %mul3A_304 = arith.mulf %get3A_301, %mul3A_303 : vector<16xf32>
        %add3A_305 = arith.addf %mul3A_304, %get3A_124 : vector<16xf32>
        %swap3A_306 = arith.constant 0 : i32
        %swap3A_307 = arith.index_cast %swap3A_306 : i32 to index
        %swap3A_308 = arith.index_cast %scan3A_282 : i32 to index
        %swap3A_309 = arith.constant 16 : index
        %swap3A_310 = tpu.vector_load %arg7[%swap3A_307, %swap3A_308, %swap3A_309] {strides = array<i32>} : memref<2x128x64xf32, #tpu.memory_space<vmem>>, vector<16xf32>,
        tpu.vector_store %arg7[%swap3A_307, %swap3A_308, %swap3A_309], %add3A_305 {strides = array<i32>} : memref<2x128x64xf32, #tpu.memory_space<vmem>>, vector<16xf32>,
        %get3A_311 = arith.constant 0 : i32
        %get3A_312 = arith.index_cast %get3A_311 : i32 to index
        %get3A_313 = arith.index_cast %scan3A_282 : i32 to index
        %get3A_314 = arith.constant 32 : index
        %get3A_315 = tpu.vector_load %arg7[%get3A_312, %get3A_313, %get3A_314] {strides = array<i32>} : memref<2x128x64xf32, #tpu.memory_space<vmem>>, vector<16xf32>,
        %mul3A_316 = arith.constant 8.000000e+00 : f32
        %mul3A_317 = vector.broadcast %mul3A_316 : f32 to vector<16xf32>
        %mul3A_318 = arith.mulf %get3A_315, %mul3A_317 : vector<16xf32>
        %add3A_319 = arith.addf %mul3A_318, %get3A_127 : vector<16xf32>
        %swap3A_320 = arith.constant 0 : i32
        %swap3A_321 = arith.index_cast %swap3A_320 : i32 to index
        %swap3A_322 = arith.index_cast %scan3A_282 : i32 to index
        %swap3A_323 = arith.constant 32 : index
        %swap3A_324 = tpu.vector_load %arg7[%swap3A_321, %swap3A_322, %swap3A_323] {strides = array<i32>} : memref<2x128x64xf32, #tpu.memory_space<vmem>>, vector<16xf32>,
        tpu.vector_store %arg7[%swap3A_321, %swap3A_322, %swap3A_323], %add3A_319 {strides = array<i32>} : memref<2x128x64xf32, #tpu.memory_space<vmem>>, vector<16xf32>,
        %get3A_325 = arith.constant 0 : i32
        %get3A_326 = arith.index_cast %get3A_325 : i32 to index
        %get3A_327 = arith.index_cast %scan3A_282 : i32 to index
        %get3A_328 = arith.constant 48 : index
        %get3A_329 = tpu.vector_load %arg7[%get3A_326, %get3A_327, %get3A_328] {strides = array<i32>} : memref<2x128x64xf32, #tpu.memory_space<vmem>>, vector<16xf32>,
        %mul3A_330 = arith.constant 8.000000e+00 : f32
        %mul3A_331 = vector.broadcast %mul3A_330 : f32 to vector<16xf32>
        %mul3A_332 = arith.mulf %get3A_329, %mul3A_331 : vector<16xf32>
        %add3A_333 = arith.addf %mul3A_332, %get3A_130 : vector<16xf32>
        %swap3A_334 = arith.constant 0 : i32
        %swap3A_335 = arith.index_cast %swap3A_334 : i32 to index
        %swap3A_336 = arith.index_cast %scan3A_282 : i32 to index
        %swap3A_337 = arith.constant 48 : index
        %swap3A_338 = tpu.vector_load %arg7[%swap3A_335, %swap3A_336, %swap3A_337] {strides = array<i32>} : memref<2x128x64xf32, #tpu.memory_space<vmem>>, vector<16xf32>,
        tpu.vector_store %arg7[%swap3A_335, %swap3A_336, %swap3A_337], %add3A_333 {strides = array<i32>} : memref<2x128x64xf32, #tpu.memory_space<vmem>>, vector<16xf32>,
        %scan3A_339 = arith.constant 0 : i32
        %scan3A_340 = arith.constant 2 : i32
        %scan3A_341 = arith.addi %scan3A_223, %scan3A_340 : i32
        %get3A_342 = arith.constant 0 : i32
        %get3A_343 = arith.index_cast %get3A_342 : i32 to index
        %get3A_344 = arith.index_cast %scan3A_341 : i32 to index
        %get3A_345 = arith.constant 0 : index
        %get3A_346 = tpu.vector_load %arg7[%get3A_343, %get3A_344, %get3A_345] {strides = array<i32>} : memref<2x128x64xf32, #tpu.memory_space<vmem>>, vector<16xf32>,
        %mul3A_347 = arith.constant 8.000000e+00 : f32
        %mul3A_348 = vector.broadcast %mul3A_347 : f32 to vector<16xf32>
        %mul3A_349 = arith.mulf %get3A_346, %mul3A_348 : vector<16xf32>
        %add3A_350 = arith.addf %mul3A_349, %get3A_121 : vector<16xf32>
        %swap3A_351 = arith.constant 0 : i32
        %swap3A_352 = arith.index_cast %swap3A_351 : i32 to index
        %swap3A_353 = arith.index_cast %scan3A_341 : i32 to index
        %swap3A_354 = arith.constant 0 : index
        %swap3A_355 = tpu.vector_load %arg7[%swap3A_352, %swap3A_353, %swap3A_354] {strides = array<i32>} : memref<2x128x64xf32, #tpu.memory_space<vmem>>, vector<16xf32>,
        tpu.vector_store %arg7[%swap3A_352, %swap3A_353, %swap3A_354], %add3A_350 {strides = array<i32>} : memref<2x128x64xf32, #tpu.memory_space<vmem>>, vector<16xf32>,
        %get3A_356 = arith.constant 0 : i32
        %get3A_357 = arith.index_cast %get3A_356 : i32 to index
        %get3A_358 = arith.index_cast %scan3A_341 : i32 to index
        %get3A_359 = arith.constant 16 : index
        %get3A_360 = tpu.vector_load %arg7[%get3A_357, %get3A_358, %get3A_359] {strides = array<i32>} : memref<2x128x64xf32, #tpu.memory_space<vmem>>, vector<16xf32>,
        %mul3A_361 = arith.constant 8.000000e+00 : f32
        %mul3A_362 = vector.broadcast %mul3A_361 : f32 to vector<16xf32>
        %mul3A_363 = arith.mulf %get3A_360, %mul3A_362 : vector<16xf32>
        %add3A_364 = arith.addf %mul3A_363, %get3A_124 : vector<16xf32>
        %swap3A_365 = arith.constant 0 : i32
        %swap3A_366 = arith.index_cast %swap3A_365 : i32 to index
        %swap3A_367 = arith.index_cast %scan3A_341 : i32 to index
        %swap3A_368 = arith.constant 16 : index
        %swap3A_369 = tpu.vector_load %arg7[%swap3A_366, %swap3A_367, %swap3A_368] {strides = array<i32>} : memref<2x128x64xf32, #tpu.memory_space<vmem>>, vector<16xf32>,
        tpu.vector_store %arg7[%swap3A_366, %swap3A_367, %swap3A_368], %add3A_364 {strides = array<i32>} : memref<2x128x64xf32, #tpu.memory_space<vmem>>, vector<16xf32>,
        %get3A_370 = arith.constant 0 : i32
        %get3A_371 = arith.index_cast %get3A_370 : i32 to index
        %get3A_372 = arith.index_cast %scan3A_341 : i32 to index
        %get3A_373 = arith.constant 32 : index
        %get3A_374 = tpu.vector_load %arg7[%get3A_371, %get3A_372, %get3A_373] {strides = array<i32>} : memref<2x128x64xf32, #tpu.memory_space<vmem>>, vector<16xf32>,
        %mul3A_375 = arith.constant 8.000000e+00 : f32
        %mul3A_376 = vector.broadcast %mul3A_375 : f32 to vector<16xf32>
        %mul3A_377 = arith.mulf %get3A_374, %mul3A_376 : vector<16xf32>
        %add3A_378 = arith.addf %mul3A_377, %get3A_127 : vector<16xf32>
        %swap3A_379 = arith.constant 0 : i32
        %swap3A_380 = arith.index_cast %swap3A_379 : i32 to index
        %swap3A_381 = arith.index_cast %scan3A_341 : i32 to index
        %swap3A_382 = arith.constant 32 : index
        %swap3A_383 = tpu.vector_load %arg7[%swap3A_380, %swap3A_381, %swap3A_382] {strides = array<i32>} : memref<2x128x64xf32, #tpu.memory_space<vmem>>, vector<16xf32>,
        tpu.vector_store %arg7[%swap3A_380, %swap3A_381, %swap3A_382], %add3A_378 {strides = array<i32>} : memref<2x128x64xf32, #tpu.memory_space<vmem>>, vector<16xf32>,
        %get3A_384 = arith.constant 0 : i32
        %get3A_385 = arith.index_cast %get3A_384 : i32 to index
        %get3A_386 = arith.index_cast %scan3A_341 : i32 to index
        %get3A_387 = arith.constant 48 : index
        %get3A_388 = tpu.vector_load %arg7[%get3A_385, %get3A_386, %get3A_387] {strides = array<i32>} : memref<2x128x64xf32, #tpu.memory_space<vmem>>, vector<16xf32>,
        %mul3A_389 = arith.constant 8.000000e+00 : f32
        %mul3A_390 = vector.broadcast %mul3A_389 : f32 to vector<16xf32>
        %mul3A_391 = arith.mulf %get3A_388, %mul3A_390 : vector<16xf32>
        %add3A_392 = arith.addf %mul3A_391, %get3A_130 : vector<16xf32>
        %swap3A_393 = arith.constant 0 : i32
        %swap3A_394 = arith.index_cast %swap3A_393 : i32 to index
        %swap3A_395 = arith.index_cast %scan3A_341 : i32 to index
        %swap3A_396 = arith.constant 48 : index
        %swap3A_397 = tpu.vector_load %arg7[%swap3A_394, %swap3A_395, %swap3A_396] {strides = array<i32>} : memref<2x128x64xf32, #tpu.memory_space<vmem>>, vector<16xf32>,
        tpu.vector_store %arg7[%swap3A_394, %swap3A_395, %swap3A_396], %add3A_392 {strides = array<i32>} : memref<2x128x64xf32, #tpu.memory_space<vmem>>, vector<16xf32>,
        %scan3A_398 = arith.constant 0 : i32
        %scan3A_399 = arith.constant 3 : i32
        %scan3A_400 = arith.addi %scan3A_223, %scan3A_399 : i32
        %get3A_401 = arith.constant 0 : i32
        %get3A_402 = arith.index_cast %get3A_401 : i32 to index
        %get3A_403 = arith.index_cast %scan3A_400 : i32 to index
        %get3A_404 = arith.constant 0 : index
        %get3A_405 = tpu.vector_load %arg7[%get3A_402, %get3A_403, %get3A_404] {strides = array<i32>} : memref<2x128x64xf32, #tpu.memory_space<vmem>>, vector<16xf32>,
        %mul3A_406 = arith.constant 8.000000e+00 : f32
        %mul3A_407 = vector.broadcast %mul3A_406 : f32 to vector<16xf32>
        %mul3A_408 = arith.mulf %get3A_405, %mul3A_407 : vector<16xf32>
        %add3A_409 = arith.addf %mul3A_408, %get3A_121 : vector<16xf32>
        %swap3A_410 = arith.constant 0 : i32
        %swap3A_411 = arith.index_cast %swap3A_410 : i32 to index
        %swap3A_412 = arith.index_cast %scan3A_400 : i32 to index
        %swap3A_413 = arith.constant 0 : index
        %swap3A_414 = tpu.vector_load %arg7[%swap3A_411, %swap3A_412, %swap3A_413] {strides = array<i32>} : memref<2x128x64xf32, #tpu.memory_space<vmem>>, vector<16xf32>,
        tpu.vector_store %arg7[%swap3A_411, %swap3A_412, %swap3A_413], %add3A_409 {strides = array<i32>} : memref<2x128x64xf32, #tpu.memory_space<vmem>>, vector<16xf32>,
        %get3A_415 = arith.constant 0 : i32
        %get3A_416 = arith.index_cast %get3A_415 : i32 to index
        %get3A_417 = arith.index_cast %scan3A_400 : i32 to index
        %get3A_418 = arith.constant 16 : index
        %get3A_419 = tpu.vector_load %arg7[%get3A_416, %get3A_417, %get3A_418] {strides = array<i32>} : memref<2x128x64xf32, #tpu.memory_space<vmem>>, vector<16xf32>,
        %mul3A_420 = arith.constant 8.000000e+00 : f32
        %mul3A_421 = vector.broadcast %mul3A_420 : f32 to vector<16xf32>
        %mul3A_422 = arith.mulf %get3A_419, %mul3A_421 : vector<16xf32>
        %add3A_423 = arith.addf %mul3A_422, %get3A_124 : vector<16xf32>
        %swap3A_424 = arith.constant 0 : i32
        %swap3A_425 = arith.index_cast %swap3A_424 : i32 to index
        %swap3A_426 = arith.index_cast %scan3A_400 : i32 to index
        %swap3A_427 = arith.constant 16 : index
        %swap3A_428 = tpu.vector_load %arg7[%swap3A_425, %swap3A_426, %swap3A_427] {strides = array<i32>} : memref<2x128x64xf32, #tpu.memory_space<vmem>>, vector<16xf32>,
        tpu.vector_store %arg7[%swap3A_425, %swap3A_426, %swap3A_427], %add3A_423 {strides = array<i32>} : memref<2x128x64xf32, #tpu.memory_space<vmem>>, vector<16xf32>,
        %get3A_429 = arith.constant 0 : i32
        %get3A_430 = arith.index_cast %get3A_429 : i32 to index
        %get3A_431 = arith.index_cast %scan3A_400 : i32 to index
        %get3A_432 = arith.constant 32 : index
        %get3A_433 = tpu.vector_load %arg7[%get3A_430, %get3A_431, %get3A_432] {strides = array<i32>} : memref<2x128x64xf32, #tpu.memory_space<vmem>>, vector<16xf32>,
        %mul3A_434 = arith.constant 8.000000e+00 : f32
        %mul3A_435 = vector.broadcast %mul3A_434 : f32 to vector<16xf32>
        %mul3A_436 = arith.mulf %get3A_433, %mul3A_435 : vector<16xf32>
        %add3A_437 = arith.addf %mul3A_436, %get3A_127 : vector<16xf32>
        %swap3A_438 = arith.constant 0 : i32
        %swap3A_439 = arith.index_cast %swap3A_438 : i32 to index
        %swap3A_440 = arith.index_cast %scan3A_400 : i32 to index
        %swap3A_441 = arith.constant 32 : index
        %swap3A_442 = tpu.vector_load %arg7[%swap3A_439, %swap3A_440, %swap3A_441] {strides = array<i32>} : memref<2x128x64xf32, #tpu.memory_space<vmem>>, vector<16xf32>,
        tpu.vector_store %arg7[%swap3A_439, %swap3A_440, %swap3A_441], %add3A_437 {strides = array<i32>} : memref<2x128x64xf32, #tpu.memory_space<vmem>>, vector<16xf32>,
        %get3A_443 = arith.constant 0 : i32
        %get3A_444 = arith.index_cast %get3A_443 : i32 to index
        %get3A_445 = arith.index_cast %scan3A_400 : i32 to index
        %get3A_446 = arith.constant 48 : index
        %get3A_447 = tpu.vector_load %arg7[%get3A_444, %get3A_445, %get3A_446] {strides = array<i32>} : memref<2x128x64xf32, #tpu.memory_space<vmem>>, vector<16xf32>,
        %mul3A_448 = arith.constant 8.000000e+00 : f32
        %mul3A_449 = vector.broadcast %mul3A_448 : f32 to vector<16xf32>
        %mul3A_450 = arith.mulf %get3A_447, %mul3A_449 : vector<16xf32>
        %add3A_451 = arith.addf %mul3A_450, %get3A_130 : vector<16xf32>
        %swap3A_452 = arith.constant 0 : i32
        %swap3A_453 = arith.index_cast %swap3A_452 : i32 to index
        %swap3A_454 = arith.index_cast %scan3A_400 : i32 to index
        %swap3A_455 = arith.constant 48 : index
        %swap3A_456 = tpu.vector_load %arg7[%swap3A_453, %swap3A_454, %swap3A_455] {strides = array<i32>} : memref<2x128x64xf32, #tpu.memory_space<vmem>>, vector<16xf32>,
        tpu.vector_store %arg7[%swap3A_453, %swap3A_454, %swap3A_455], %add3A_451 {strides = array<i32>} : memref<2x128x64xf32, #tpu.memory_space<vmem>>, vector<16xf32>,
        %scan3A_457 = arith.constant 0 : i32
        scf.yield %scan3A_457 : i32
      }
      %scan3A_137 = arith.constant 128 : i32
      %dma_start3A_138 = arith.constant 0 : i32
      %dma_start3A_139 = arith.constant 0 : i32
      %dma_start3A_140 = arith.constant 0 : i32
      %dma_start3A_141 = tpu.memref_slice %arg7[%dma_start3A_138, %dma_start3A_139, %dma_start3A_140] : memref<2x128x64xf32, #tpu.memory_space<vmem>> -> memref<1x128x64xf32, #tpu.memory_space<vmem>>
      %dma_start3A_142 = tpu.memref_squeeze %dma_start3A_141 : memref<1x128x64xf32, #tpu.memory_space<vmem>> -> memref<128x64xf32, #tpu.memory_space<vmem>>
      %dma_start3A_143 = arith.constant 0 : i32
      %dma_start3A_144 = tpu.memref_slice %arg5[%add3A_92, %mul3A_2, %dma_start3A_143] : memref<200x4096x64xf32, #tpu.memory_space<hbm>> -> memref<1x128x64xf32, #tpu.memory_space<hbm>>
      %dma_start3A_145 = tpu.memref_squeeze %dma_start3A_144 : memref<1x128x64xf32, #tpu.memory_space<hbm>> -> memref<128x64xf32, #tpu.memory_space<hbm>>
      %dma_start3A_146 = arith.constant 0 : i32
      %dma_start3A_147 = tpu.memref_slice %arg5[%add3A_92, %mul3A_2, %dma_start3A_146] : memref<200x4096x64xf32, #tpu.memory_space<hbm>> -> memref<1x128x64xf32, #tpu.memory_space<hbm>>
      %dma_start3A_148 = tpu.memref_squeeze %dma_start3A_147 : memref<1x128x64xf32, #tpu.memory_space<hbm>> -> memref<128x64xf32, #tpu.memory_space<hbm>>
      %dma_start3A_149 = arith.constant 0 : i32
      %dma_start3A_150 = arith.constant 0 : i32
      %dma_start3A_151 = tpu.memref_slice %arg7[%dma_start3A_138, %dma_start3A_149, %dma_start3A_150] : memref<2x128x64xf32, #tpu.memory_space<vmem>> -> memref<1x128x64xf32, #tpu.memory_space<vmem>>
      %dma_start3A_152 = tpu.memref_squeeze %dma_start3A_151 : memref<1x128x64xf32, #tpu.memory_space<vmem>> -> memref<128x64xf32, #tpu.memory_space<vmem>>
      tpu.enqueue_dma source(%dma_start3A_152 : memref<128x64xf32, #tpu.memory_space<vmem>>) target(%dma_start3A_148 : memref<128x64xf32, #tpu.memory_space<hbm>>) target_semaphore(%arg13 : memref<!tpu.dma_semaphore, #tpu.memory_space<semaphore_mem>>)
      %mul3A_153 = arith.constant 2 : i32
      %mul3A_154 = arith.muli %scan3A_87, %mul3A_153 : i32
      %add3A_155 = arith.constant 1 : i32
      %add3A_156 = arith.addi %mul3A_154, %add3A_155 : i32
      %add3A_157 = arith.constant 1 : i32
      %add3A_158 = arith.addi %add3A_156, %add3A_157 : i32
      %lt3A_159 = arith.constant 200 : i32
      %lt3A_160 = arith.cmpi slt, %add3A_158, %lt3A_159 : i32
      %convert_element_type3A_161 = arith.extui %lt3A_160 : i1 to i32
      %cond3A_162 = arith.constant 0 : i32
      %cond3A_163 = arith.cmpi ne, %convert_element_type3A_161, %cond3A_162 : i32
      scf.if %cond3A_163 {
        %add3A_223 = arith.constant 1 : i32
        %add3A_224 = arith.addi %add3A_156, %add3A_223 : i32
        %dma_wait3A_225 = arith.constant 0 : i32
        %dma_wait3A_226 = arith.constant 0 : i32
        %dma_wait3A_227 = tpu.memref_slice %arg6[%dma_wait3A_225, %dma_wait3A_226] : memref<2x128xi32, #tpu.memory_space<vmem>> -> memref<1x128xi32, #tpu.memory_space<vmem>>
        %dma_wait3A_228 = tpu.memref_squeeze %dma_wait3A_227 : memref<1x128xi32, #tpu.memory_space<vmem>> -> memref<128xi32, #tpu.memory_space<vmem>>
        %dma_wait3A_229 = tpu.memref_slice %arg2[%add3A_224, %mul3A_2] : memref<200x4096xi32, #tpu.memory_space<hbm>> -> memref<1x128xi32, #tpu.memory_space<hbm>>
        %dma_wait3A_230 = tpu.memref_squeeze %dma_wait3A_229 : memref<1x128xi32, #tpu.memory_space<hbm>> -> memref<128xi32, #tpu.memory_space<hbm>>
        %dma_wait3A_231 = arith.constant 0 : i32
        %dma_wait3A_232 = tpu.memref_slice %arg6[%dma_wait3A_225, %dma_wait3A_231] : memref<2x128xi32, #tpu.memory_space<vmem>> -> memref<1x128xi32, #tpu.memory_space<vmem>>
        %dma_wait3A_233 = tpu.memref_squeeze %dma_wait3A_232 : memref<1x128xi32, #tpu.memory_space<vmem>> -> memref<128xi32, #tpu.memory_space<vmem>>
        %dma_wait3A_234 = tpu.memref_slice %arg2[%add3A_224, %mul3A_2] : memref<200x4096xi32, #tpu.memory_space<hbm>> -> memref<1x128xi32, #tpu.memory_space<hbm>>
        %dma_wait3A_235 = tpu.memref_squeeze %dma_wait3A_234 : memref<1x128xi32, #tpu.memory_space<hbm>> -> memref<128xi32, #tpu.memory_space<hbm>>
        tpu.wait_dma2 semaphore(%arg9 : memref<!tpu.dma_semaphore, #tpu.memory_space<semaphore_mem>>) src(%dma_wait3A_235 : memref<128xi32, #tpu.memory_space<hbm>>) dst(%dma_wait3A_233 : memref<128xi32, #tpu.memory_space<vmem>>)
        %dma_start3A_236 = arith.constant 0 : i32
        %dma_start3A_237 = arith.constant 0 : i32
        %dma_start3A_238 = arith.constant 0 : i32
        %dma_start3A_239 = arith.constant 0 : i32
        %dma_start3A_240 = tpu.memref_slice %arg7[%dma_start3A_237, %dma_start3A_238, %dma_start3A_239] : memref<2x128x64xf32, #tpu.memory_space<vmem>> -> memref<1x128x64xf32, #tpu.memory_space<vmem>>
        %dma_start3A_241 = tpu.memref_squeeze %dma_start3A_240 : memref<1x128x64xf32, #tpu.memory_space<vmem>> -> memref<128x64xf32, #tpu.memory_space<vmem>>
        %dma_start3A_242 = arith.constant 0 : i32
        %dma_start3A_243 = tpu.memref_slice %arg6[%dma_start3A_236, %dma_start3A_242] : memref<2x128xi32, #tpu.memory_space<vmem>> -> memref<1x128xi32, #tpu.memory_space<vmem>>
        %dma_start3A_244 = tpu.memref_squeeze %dma_start3A_243 : memref<1x128xi32, #tpu.memory_space<vmem>> -> memref<128xi32, #tpu.memory_space<vmem>>
        %dma_start3A_245 = arith.constant 0 : i32
        %dma_start3A_246 = arith.constant 0 : i32
        %dma_start3A_247 = tpu.memref_slice %arg4[%dma_start3A_245, %dma_start3A_246] : memref<1000000x64xf32, #tpu.memory_space<hbm>> -> memref<1000000x64xf32, #tpu.memory_space<hbm>>
        tpu.enqueue_indirect_dma source(%dma_start3A_247 : memref<1000000x64xf32, #tpu.memory_space<hbm>>) target(%dma_start3A_241 : memref<128x64xf32, #tpu.memory_space<vmem>>) offsets(%dma_start3A_244 : memref<128xi32, #tpu.memory_space<vmem>>) semaphore(%arg11 : memref<!tpu.dma_semaphore, #tpu.memory_space<semaphore_mem>>)
      } else {
      }
      %dma_wait3A_164 = arith.constant 1 : i32
      %dma_wait3A_165 = arith.constant 1 : i32
      %dma_wait3A_166 = arith.constant 0 : i32
      %dma_wait3A_167 = arith.constant 0 : i32
      %dma_wait3A_168 = tpu.memref_slice %arg7[%dma_wait3A_165, %dma_wait3A_166, %dma_wait3A_167] : memref<2x128x64xf32, #tpu.memory_space<vmem>> -> memref<1x128x64xf32, #tpu.memory_space<vmem>>
      %dma_wait3A_169 = tpu.memref_squeeze %dma_wait3A_168 : memref<1x128x64xf32, #tpu.memory_space<vmem>> -> memref<128x64xf32, #tpu.memory_space<vmem>>
      %dma_wait3A_170 = arith.constant 0 : i32
      %dma_wait3A_171 = tpu.memref_slice %arg6[%dma_wait3A_164, %dma_wait3A_170] : memref<2x128xi32, #tpu.memory_space<vmem>> -> memref<1x128xi32, #tpu.memory_space<vmem>>
      %dma_wait3A_172 = tpu.memref_squeeze %dma_wait3A_171 : memref<1x128xi32, #tpu.memory_space<vmem>> -> memref<128xi32, #tpu.memory_space<vmem>>
      %dma_wait3A_173 = arith.constant 0 : i32
      %dma_wait3A_174 = arith.constant 0 : i32
      %dma_wait3A_175 = tpu.memref_slice %arg4[%dma_wait3A_173, %dma_wait3A_174] : memref<1000000x64xf32, #tpu.memory_space<hbm>> -> memref<1000000x64xf32, #tpu.memory_space<hbm>>
      tpu.wait_indirect_dma semaphore(%arg12 : memref<!tpu.dma_semaphore, #tpu.memory_space<semaphore_mem>>) src(%dma_wait3A_175 : memref<1000000x64xf32, #tpu.memory_space<hbm>>) dst(%dma_wait3A_169 : memref<128x64xf32, #tpu.memory_space<vmem>>)
      %add3A_176 = arith.constant 2 : i32
      %add3A_177 = arith.addi %add3A_156, %add3A_176 : i32
      %lt3A_178 = arith.constant 200 : i32
      %lt3A_179 = arith.cmpi slt, %add3A_177, %lt3A_178 : i32
      %convert_element_type3A_180 = arith.extui %lt3A_179 : i1 to i32
      %cond3A_181 = arith.constant 0 : i32
      %cond3A_182 = arith.cmpi ne, %convert_element_type3A_180, %cond3A_181 : i32
      scf.if %cond3A_182 {
        %add3A_223 = arith.constant 2 : i32
        %add3A_224 = arith.addi %add3A_156, %add3A_223 : i32
        %dma_start3A_225 = arith.constant 1 : i32
        %dma_start3A_226 = arith.constant 0 : i32
        %dma_start3A_227 = tpu.memref_slice %arg6[%dma_start3A_225, %dma_start3A_226] : memref<2x128xi32, #tpu.memory_space<vmem>> -> memref<1x128xi32, #tpu.memory_space<vmem>>
        %dma_start3A_228 = tpu.memref_squeeze %dma_start3A_227 : memref<1x128xi32, #tpu.memory_space<vmem>> -> memref<128xi32, #tpu.memory_space<vmem>>
        %dma_start3A_229 = tpu.memref_slice %arg2[%add3A_224, %mul3A_2] : memref<200x4096xi32, #tpu.memory_space<hbm>> -> memref<1x128xi32, #tpu.memory_space<hbm>>
        %dma_start3A_230 = tpu.memref_squeeze %dma_start3A_229 : memref<1x128xi32, #tpu.memory_space<hbm>> -> memref<128xi32, #tpu.memory_space<hbm>>
        %dma_start3A_231 = arith.constant 0 : i32
        %dma_start3A_232 = tpu.memref_slice %arg6[%dma_start3A_225, %dma_start3A_231] : memref<2x128xi32, #tpu.memory_space<vmem>> -> memref<1x128xi32, #tpu.memory_space<vmem>>
        %dma_start3A_233 = tpu.memref_squeeze %dma_start3A_232 : memref<1x128xi32, #tpu.memory_space<vmem>> -> memref<128xi32, #tpu.memory_space<vmem>>
        %dma_start3A_234 = tpu.memref_slice %arg2[%add3A_224, %mul3A_2] : memref<200x4096xi32, #tpu.memory_space<hbm>> -> memref<1x128xi32, #tpu.memory_space<hbm>>
        %dma_start3A_235 = tpu.memref_squeeze %dma_start3A_234 : memref<1x128xi32, #tpu.memory_space<hbm>> -> memref<128xi32, #tpu.memory_space<hbm>>
        tpu.enqueue_dma source(%dma_start3A_235 : memref<128xi32, #tpu.memory_space<hbm>>) target(%dma_start3A_233 : memref<128xi32, #tpu.memory_space<vmem>>) target_semaphore(%arg10 : memref<!tpu.dma_semaphore, #tpu.memory_space<semaphore_mem>>)
      } else {
      }
      %ge3A_183 = arith.constant 2 : i32
      %ge3A_184 = arith.cmpi sge, %add3A_156, %ge3A_183 : i32
      %convert_element_type3A_185 = arith.extui %ge3A_184 : i1 to i32
      %cond3A_186 = arith.constant 0 : i32
      %cond3A_187 = arith.cmpi ne, %convert_element_type3A_185, %cond3A_186 : i32
      scf.if %cond3A_187 {
        %sub3A = arith.constant 2 : i32
        %sub3A_223 = arith.subi %add3A_156, %sub3A : i32
        %dma_wait3A_224 = arith.constant 1 : i32
        %dma_wait3A_225 = arith.constant 0 : i32
        %dma_wait3A_226 = arith.constant 0 : i32
        %dma_wait3A_227 = tpu.memref_slice %arg7[%dma_wait3A_224, %dma_wait3A_225, %dma_wait3A_226] : memref<2x128x64xf32, #tpu.memory_space<vmem>> -> memref<1x128x64xf32, #tpu.memory_space<vmem>>
        %dma_wait3A_228 = tpu.memref_squeeze %dma_wait3A_227 : memref<1x128x64xf32, #tpu.memory_space<vmem>> -> memref<128x64xf32, #tpu.memory_space<vmem>>
        %dma_wait3A_229 = arith.constant 0 : i32
        %dma_wait3A_230 = tpu.memref_slice %arg5[%sub3A_223, %mul3A_2, %dma_wait3A_229] : memref<200x4096x64xf32, #tpu.memory_space<hbm>> -> memref<1x128x64xf32, #tpu.memory_space<hbm>>
        %dma_wait3A_231 = tpu.memref_squeeze %dma_wait3A_230 : memref<1x128x64xf32, #tpu.memory_space<hbm>> -> memref<128x64xf32, #tpu.memory_space<hbm>>
        %dma_wait3A_232 = arith.constant 0 : i32
        %dma_wait3A_233 = tpu.memref_slice %arg5[%sub3A_223, %mul3A_2, %dma_wait3A_232] : memref<200x4096x64xf32, #tpu.memory_space<hbm>> -> memref<1x128x64xf32, #tpu.memory_space<hbm>>
        %dma_wait3A_234 = tpu.memref_squeeze %dma_wait3A_233 : memref<1x128x64xf32, #tpu.memory_space<hbm>> -> memref<128x64xf32, #tpu.memory_space<hbm>>
        %dma_wait3A_235 = arith.constant 0 : i32
        %dma_wait3A_236 = arith.constant 0 : i32
        %dma_wait3A_237 = tpu.memref_slice %arg7[%dma_wait3A_224, %dma_wait3A_235, %dma_wait3A_236] : memref<2x128x64xf32, #tpu.memory_space<vmem>> -> memref<1x128x64xf32, #tpu.memory_space<vmem>>
        %dma_wait3A_238 = tpu.memref_squeeze %dma_wait3A_237 : memref<1x128x64xf32, #tpu.memory_space<vmem>> -> memref<128x64xf32, #tpu.memory_space<vmem>>
        tpu.wait_dma2 semaphore(%arg14 : memref<!tpu.dma_semaphore, #tpu.memory_space<semaphore_mem>>) src(%dma_wait3A_238 : memref<128x64xf32, #tpu.memory_space<vmem>>) dst(%dma_wait3A_234 : memref<128x64xf32, #tpu.memory_space<hbm>>)
      } else {
      }
      %get3A_188 = arith.index_cast %add3A_156 : i32 to index
      %get3A_189 = arith.constant 0 : index
      %get3A_190 = tpu.vector_load %arg8[%get3A_188, %get3A_189] {strides = array<i32>} : memref<200x64xf32, #tpu.memory_space<vmem>>, vector<16xf32>,
      %get3A_191 = arith.index_cast %add3A_156 : i32 to index
      %get3A_192 = arith.constant 16 : index
      %get3A_193 = tpu.vector_load %arg8[%get3A_191, %get3A_192] {strides = array<i32>} : memref<200x64xf32, #tpu.memory_space<vmem>>, vector<16xf32>,
      %get3A_194 = arith.index_cast %add3A_156 : i32 to index
      %get3A_195 = arith.constant 32 : index
      %get3A_196 = tpu.vector_load %arg8[%get3A_194, %get3A_195] {strides = array<i32>} : memref<200x64xf32, #tpu.memory_space<vmem>>, vector<16xf32>,
      %get3A_197 = arith.index_cast %add3A_156 : i32 to index
      %get3A_198 = arith.constant 48 : index
      %get3A_199 = tpu.vector_load %arg8[%get3A_197, %get3A_198] {strides = array<i32>} : memref<200x64xf32, #tpu.memory_space<vmem>>, vector<16xf32>,
      %scan3A_200 = arith.constant 0 : i32
      %scan3A_201 = arith.constant 0 : i32
      %scan3A_202 = arith.constant 128 : i32
      %scan3A_203 = arith.addi %scan3A_201, %scan3A_202 : i32
      %scan3A_204 = arith.constant 4 : i32
      %scan3A_205 = scf.for %scan3A_223 = %scan3A_201 to %scan3A_203 step %scan3A_204 iter_args(%scan3A_224 = %scan3A_200) -> (i32)  : i32 {
        %get3A_225 = arith.constant 1 : i32
        %get3A_226 = arith.index_cast %get3A_225 : i32 to index
        %get3A_227 = arith.index_cast %scan3A_223 : i32 to index
        %get3A_228 = arith.constant 0 : index
        %get3A_229 = tpu.vector_load %arg7[%get3A_226, %get3A_227, %get3A_228] {strides = array<i32>} : memref<2x128x64xf32, #tpu.memory_space<vmem>>, vector<16xf32>,
        %mul3A_230 = arith.constant 8.000000e+00 : f32
        %mul3A_231 = vector.broadcast %mul3A_230 : f32 to vector<16xf32>
        %mul3A_232 = arith.mulf %get3A_229, %mul3A_231 : vector<16xf32>
        %add3A_233 = arith.addf %mul3A_232, %get3A_190 : vector<16xf32>
        %swap3A = arith.constant 1 : i32
        %swap3A_234 = arith.index_cast %swap3A : i32 to index
        %swap3A_235 = arith.index_cast %scan3A_223 : i32 to index
        %swap3A_236 = arith.constant 0 : index
        %swap3A_237 = tpu.vector_load %arg7[%swap3A_234, %swap3A_235, %swap3A_236] {strides = array<i32>} : memref<2x128x64xf32, #tpu.memory_space<vmem>>, vector<16xf32>,
        tpu.vector_store %arg7[%swap3A_234, %swap3A_235, %swap3A_236], %add3A_233 {strides = array<i32>} : memref<2x128x64xf32, #tpu.memory_space<vmem>>, vector<16xf32>,
        %get3A_238 = arith.constant 1 : i32
        %get3A_239 = arith.index_cast %get3A_238 : i32 to index
        %get3A_240 = arith.index_cast %scan3A_223 : i32 to index
        %get3A_241 = arith.constant 16 : index
        %get3A_242 = tpu.vector_load %arg7[%get3A_239, %get3A_240, %get3A_241] {strides = array<i32>} : memref<2x128x64xf32, #tpu.memory_space<vmem>>, vector<16xf32>,
        %mul3A_243 = arith.constant 8.000000e+00 : f32
        %mul3A_244 = vector.broadcast %mul3A_243 : f32 to vector<16xf32>
        %mul3A_245 = arith.mulf %get3A_242, %mul3A_244 : vector<16xf32>
        %add3A_246 = arith.addf %mul3A_245, %get3A_193 : vector<16xf32>
        %swap3A_247 = arith.constant 1 : i32
        %swap3A_248 = arith.index_cast %swap3A_247 : i32 to index
        %swap3A_249 = arith.index_cast %scan3A_223 : i32 to index
        %swap3A_250 = arith.constant 16 : index
        %swap3A_251 = tpu.vector_load %arg7[%swap3A_248, %swap3A_249, %swap3A_250] {strides = array<i32>} : memref<2x128x64xf32, #tpu.memory_space<vmem>>, vector<16xf32>,
        tpu.vector_store %arg7[%swap3A_248, %swap3A_249, %swap3A_250], %add3A_246 {strides = array<i32>} : memref<2x128x64xf32, #tpu.memory_space<vmem>>, vector<16xf32>,
        %get3A_252 = arith.constant 1 : i32
        %get3A_253 = arith.index_cast %get3A_252 : i32 to index
        %get3A_254 = arith.index_cast %scan3A_223 : i32 to index
        %get3A_255 = arith.constant 32 : index
        %get3A_256 = tpu.vector_load %arg7[%get3A_253, %get3A_254, %get3A_255] {strides = array<i32>} : memref<2x128x64xf32, #tpu.memory_space<vmem>>, vector<16xf32>,
        %mul3A_257 = arith.constant 8.000000e+00 : f32
        %mul3A_258 = vector.broadcast %mul3A_257 : f32 to vector<16xf32>
        %mul3A_259 = arith.mulf %get3A_256, %mul3A_258 : vector<16xf32>
        %add3A_260 = arith.addf %mul3A_259, %get3A_196 : vector<16xf32>
        %swap3A_261 = arith.constant 1 : i32
        %swap3A_262 = arith.index_cast %swap3A_261 : i32 to index
        %swap3A_263 = arith.index_cast %scan3A_223 : i32 to index
        %swap3A_264 = arith.constant 32 : index
        %swap3A_265 = tpu.vector_load %arg7[%swap3A_262, %swap3A_263, %swap3A_264] {strides = array<i32>} : memref<2x128x64xf32, #tpu.memory_space<vmem>>, vector<16xf32>,
        tpu.vector_store %arg7[%swap3A_262, %swap3A_263, %swap3A_264], %add3A_260 {strides = array<i32>} : memref<2x128x64xf32, #tpu.memory_space<vmem>>, vector<16xf32>,
        %get3A_266 = arith.constant 1 : i32
        %get3A_267 = arith.index_cast %get3A_266 : i32 to index
        %get3A_268 = arith.index_cast %scan3A_223 : i32 to index
        %get3A_269 = arith.constant 48 : index
        %get3A_270 = tpu.vector_load %arg7[%get3A_267, %get3A_268, %get3A_269] {strides = array<i32>} : memref<2x128x64xf32, #tpu.memory_space<vmem>>, vector<16xf32>,
        %mul3A_271 = arith.constant 8.000000e+00 : f32
        %mul3A_272 = vector.broadcast %mul3A_271 : f32 to vector<16xf32>
        %mul3A_273 = arith.mulf %get3A_270, %mul3A_272 : vector<16xf32>
        %add3A_274 = arith.addf %mul3A_273, %get3A_199 : vector<16xf32>
        %swap3A_275 = arith.constant 1 : i32
        %swap3A_276 = arith.index_cast %swap3A_275 : i32 to index
        %swap3A_277 = arith.index_cast %scan3A_223 : i32 to index
        %swap3A_278 = arith.constant 48 : index
        %swap3A_279 = tpu.vector_load %arg7[%swap3A_276, %swap3A_277, %swap3A_278] {strides = array<i32>} : memref<2x128x64xf32, #tpu.memory_space<vmem>>, vector<16xf32>,
        tpu.vector_store %arg7[%swap3A_276, %swap3A_277, %swap3A_278], %add3A_274 {strides = array<i32>} : memref<2x128x64xf32, #tpu.memory_space<vmem>>, vector<16xf32>,
        %scan3A_280 = arith.constant 0 : i32
        %scan3A_281 = arith.constant 1 : i32
        %scan3A_282 = arith.addi %scan3A_223, %scan3A_281 : i32
        %get3A_283 = arith.constant 1 : i32
        %get3A_284 = arith.index_cast %get3A_283 : i32 to index
        %get3A_285 = arith.index_cast %scan3A_282 : i32 to index
        %get3A_286 = arith.constant 0 : index
        %get3A_287 = tpu.vector_load %arg7[%get3A_284, %get3A_285, %get3A_286] {strides = array<i32>} : memref<2x128x64xf32, #tpu.memory_space<vmem>>, vector<16xf32>,
        %mul3A_288 = arith.constant 8.000000e+00 : f32
        %mul3A_289 = vector.broadcast %mul3A_288 : f32 to vector<16xf32>
        %mul3A_290 = arith.mulf %get3A_287, %mul3A_289 : vector<16xf32>
        %add3A_291 = arith.addf %mul3A_290, %get3A_190 : vector<16xf32>
        %swap3A_292 = arith.constant 1 : i32
        %swap3A_293 = arith.index_cast %swap3A_292 : i32 to index
        %swap3A_294 = arith.index_cast %scan3A_282 : i32 to index
        %swap3A_295 = arith.constant 0 : index
        %swap3A_296 = tpu.vector_load %arg7[%swap3A_293, %swap3A_294, %swap3A_295] {strides = array<i32>} : memref<2x128x64xf32, #tpu.memory_space<vmem>>, vector<16xf32>,
        tpu.vector_store %arg7[%swap3A_293, %swap3A_294, %swap3A_295], %add3A_291 {strides = array<i32>} : memref<2x128x64xf32, #tpu.memory_space<vmem>>, vector<16xf32>,
        %get3A_297 = arith.constant 1 : i32
        %get3A_298 = arith.index_cast %get3A_297 : i32 to index
        %get3A_299 = arith.index_cast %scan3A_282 : i32 to index
        %get3A_300 = arith.constant 16 : index
        %get3A_301 = tpu.vector_load %arg7[%get3A_298, %get3A_299, %get3A_300] {strides = array<i32>} : memref<2x128x64xf32, #tpu.memory_space<vmem>>, vector<16xf32>,
        %mul3A_302 = arith.constant 8.000000e+00 : f32
        %mul3A_303 = vector.broadcast %mul3A_302 : f32 to vector<16xf32>
        %mul3A_304 = arith.mulf %get3A_301, %mul3A_303 : vector<16xf32>
        %add3A_305 = arith.addf %mul3A_304, %get3A_193 : vector<16xf32>
        %swap3A_306 = arith.constant 1 : i32
        %swap3A_307 = arith.index_cast %swap3A_306 : i32 to index
        %swap3A_308 = arith.index_cast %scan3A_282 : i32 to index
        %swap3A_309 = arith.constant 16 : index
        %swap3A_310 = tpu.vector_load %arg7[%swap3A_307, %swap3A_308, %swap3A_309] {strides = array<i32>} : memref<2x128x64xf32, #tpu.memory_space<vmem>>, vector<16xf32>,
        tpu.vector_store %arg7[%swap3A_307, %swap3A_308, %swap3A_309], %add3A_305 {strides = array<i32>} : memref<2x128x64xf32, #tpu.memory_space<vmem>>, vector<16xf32>,
        %get3A_311 = arith.constant 1 : i32
        %get3A_312 = arith.index_cast %get3A_311 : i32 to index
        %get3A_313 = arith.index_cast %scan3A_282 : i32 to index
        %get3A_314 = arith.constant 32 : index
        %get3A_315 = tpu.vector_load %arg7[%get3A_312, %get3A_313, %get3A_314] {strides = array<i32>} : memref<2x128x64xf32, #tpu.memory_space<vmem>>, vector<16xf32>,
        %mul3A_316 = arith.constant 8.000000e+00 : f32
        %mul3A_317 = vector.broadcast %mul3A_316 : f32 to vector<16xf32>
        %mul3A_318 = arith.mulf %get3A_315, %mul3A_317 : vector<16xf32>
        %add3A_319 = arith.addf %mul3A_318, %get3A_196 : vector<16xf32>
        %swap3A_320 = arith.constant 1 : i32
        %swap3A_321 = arith.index_cast %swap3A_320 : i32 to index
        %swap3A_322 = arith.index_cast %scan3A_282 : i32 to index
        %swap3A_323 = arith.constant 32 : index
        %swap3A_324 = tpu.vector_load %arg7[%swap3A_321, %swap3A_322, %swap3A_323] {strides = array<i32>} : memref<2x128x64xf32, #tpu.memory_space<vmem>>, vector<16xf32>,
        tpu.vector_store %arg7[%swap3A_321, %swap3A_322, %swap3A_323], %add3A_319 {strides = array<i32>} : memref<2x128x64xf32, #tpu.memory_space<vmem>>, vector<16xf32>,
        %get3A_325 = arith.constant 1 : i32
        %get3A_326 = arith.index_cast %get3A_325 : i32 to index
        %get3A_327 = arith.index_cast %scan3A_282 : i32 to index
        %get3A_328 = arith.constant 48 : index
        %get3A_329 = tpu.vector_load %arg7[%get3A_326, %get3A_327, %get3A_328] {strides = array<i32>} : memref<2x128x64xf32, #tpu.memory_space<vmem>>, vector<16xf32>,
        %mul3A_330 = arith.constant 8.000000e+00 : f32
        %mul3A_331 = vector.broadcast %mul3A_330 : f32 to vector<16xf32>
        %mul3A_332 = arith.mulf %get3A_329, %mul3A_331 : vector<16xf32>
        %add3A_333 = arith.addf %mul3A_332, %get3A_199 : vector<16xf32>
        %swap3A_334 = arith.constant 1 : i32
        %swap3A_335 = arith.index_cast %swap3A_334 : i32 to index
        %swap3A_336 = arith.index_cast %scan3A_282 : i32 to index
        %swap3A_337 = arith.constant 48 : index
        %swap3A_338 = tpu.vector_load %arg7[%swap3A_335, %swap3A_336, %swap3A_337] {strides = array<i32>} : memref<2x128x64xf32, #tpu.memory_space<vmem>>, vector<16xf32>,
        tpu.vector_store %arg7[%swap3A_335, %swap3A_336, %swap3A_337], %add3A_333 {strides = array<i32>} : memref<2x128x64xf32, #tpu.memory_space<vmem>>, vector<16xf32>,
        %scan3A_339 = arith.constant 0 : i32
        %scan3A_340 = arith.constant 2 : i32
        %scan3A_341 = arith.addi %scan3A_223, %scan3A_340 : i32
        %get3A_342 = arith.constant 1 : i32
        %get3A_343 = arith.index_cast %get3A_342 : i32 to index
        %get3A_344 = arith.index_cast %scan3A_341 : i32 to index
        %get3A_345 = arith.constant 0 : index
        %get3A_346 = tpu.vector_load %arg7[%get3A_343, %get3A_344, %get3A_345] {strides = array<i32>} : memref<2x128x64xf32, #tpu.memory_space<vmem>>, vector<16xf32>,
        %mul3A_347 = arith.constant 8.000000e+00 : f32
        %mul3A_348 = vector.broadcast %mul3A_347 : f32 to vector<16xf32>
        %mul3A_349 = arith.mulf %get3A_346, %mul3A_348 : vector<16xf32>
        %add3A_350 = arith.addf %mul3A_349, %get3A_190 : vector<16xf32>
        %swap3A_351 = arith.constant 1 : i32
        %swap3A_352 = arith.index_cast %swap3A_351 : i32 to index
        %swap3A_353 = arith.index_cast %scan3A_341 : i32 to index
        %swap3A_354 = arith.constant 0 : index
        %swap3A_355 = tpu.vector_load %arg7[%swap3A_352, %swap3A_353, %swap3A_354] {strides = array<i32>} : memref<2x128x64xf32, #tpu.memory_space<vmem>>, vector<16xf32>,
        tpu.vector_store %arg7[%swap3A_352, %swap3A_353, %swap3A_354], %add3A_350 {strides = array<i32>} : memref<2x128x64xf32, #tpu.memory_space<vmem>>, vector<16xf32>,
        %get3A_356 = arith.constant 1 : i32
        %get3A_357 = arith.index_cast %get3A_356 : i32 to index
        %get3A_358 = arith.index_cast %scan3A_341 : i32 to index
        %get3A_359 = arith.constant 16 : index
        %get3A_360 = tpu.vector_load %arg7[%get3A_357, %get3A_358, %get3A_359] {strides = array<i32>} : memref<2x128x64xf32, #tpu.memory_space<vmem>>, vector<16xf32>,
        %mul3A_361 = arith.constant 8.000000e+00 : f32
        %mul3A_362 = vector.broadcast %mul3A_361 : f32 to vector<16xf32>
        %mul3A_363 = arith.mulf %get3A_360, %mul3A_362 : vector<16xf32>
        %add3A_364 = arith.addf %mul3A_363, %get3A_193 : vector<16xf32>
        %swap3A_365 = arith.constant 1 : i32
        %swap3A_366 = arith.index_cast %swap3A_365 : i32 to index
        %swap3A_367 = arith.index_cast %scan3A_341 : i32 to index
        %swap3A_368 = arith.constant 16 : index
        %swap3A_369 = tpu.vector_load %arg7[%swap3A_366, %swap3A_367, %swap3A_368] {strides = array<i32>} : memref<2x128x64xf32, #tpu.memory_space<vmem>>, vector<16xf32>,
        tpu.vector_store %arg7[%swap3A_366, %swap3A_367, %swap3A_368], %add3A_364 {strides = array<i32>} : memref<2x128x64xf32, #tpu.memory_space<vmem>>, vector<16xf32>,
        %get3A_370 = arith.constant 1 : i32
        %get3A_371 = arith.index_cast %get3A_370 : i32 to index
        %get3A_372 = arith.index_cast %scan3A_341 : i32 to index
        %get3A_373 = arith.constant 32 : index
        %get3A_374 = tpu.vector_load %arg7[%get3A_371, %get3A_372, %get3A_373] {strides = array<i32>} : memref<2x128x64xf32, #tpu.memory_space<vmem>>, vector<16xf32>,
        %mul3A_375 = arith.constant 8.000000e+00 : f32
        %mul3A_376 = vector.broadcast %mul3A_375 : f32 to vector<16xf32>
        %mul3A_377 = arith.mulf %get3A_374, %mul3A_376 : vector<16xf32>
        %add3A_378 = arith.addf %mul3A_377, %get3A_196 : vector<16xf32>
        %swap3A_379 = arith.constant 1 : i32
        %swap3A_380 = arith.index_cast %swap3A_379 : i32 to index
        %swap3A_381 = arith.index_cast %scan3A_341 : i32 to index
        %swap3A_382 = arith.constant 32 : index
        %swap3A_383 = tpu.vector_load %arg7[%swap3A_380, %swap3A_381, %swap3A_382] {strides = array<i32>} : memref<2x128x64xf32, #tpu.memory_space<vmem>>, vector<16xf32>,
        tpu.vector_store %arg7[%swap3A_380, %swap3A_381, %swap3A_382], %add3A_378 {strides = array<i32>} : memref<2x128x64xf32, #tpu.memory_space<vmem>>, vector<16xf32>,
        %get3A_384 = arith.constant 1 : i32
        %get3A_385 = arith.index_cast %get3A_384 : i32 to index
        %get3A_386 = arith.index_cast %scan3A_341 : i32 to index
        %get3A_387 = arith.constant 48 : index
        %get3A_388 = tpu.vector_load %arg7[%get3A_385, %get3A_386, %get3A_387] {strides = array<i32>} : memref<2x128x64xf32, #tpu.memory_space<vmem>>, vector<16xf32>,
        %mul3A_389 = arith.constant 8.000000e+00 : f32
        %mul3A_390 = vector.broadcast %mul3A_389 : f32 to vector<16xf32>
        %mul3A_391 = arith.mulf %get3A_388, %mul3A_390 : vector<16xf32>
        %add3A_392 = arith.addf %mul3A_391, %get3A_199 : vector<16xf32>
        %swap3A_393 = arith.constant 1 : i32
        %swap3A_394 = arith.index_cast %swap3A_393 : i32 to index
        %swap3A_395 = arith.index_cast %scan3A_341 : i32 to index
        %swap3A_396 = arith.constant 48 : index
        %swap3A_397 = tpu.vector_load %arg7[%swap3A_394, %swap3A_395, %swap3A_396] {strides = array<i32>} : memref<2x128x64xf32, #tpu.memory_space<vmem>>, vector<16xf32>,
        tpu.vector_store %arg7[%swap3A_394, %swap3A_395, %swap3A_396], %add3A_392 {strides = array<i32>} : memref<2x128x64xf32, #tpu.memory_space<vmem>>, vector<16xf32>,
        %scan3A_398 = arith.constant 0 : i32
        %scan3A_399 = arith.constant 3 : i32
        %scan3A_400 = arith.addi %scan3A_223, %scan3A_399 : i32
        %get3A_401 = arith.constant 1 : i32
        %get3A_402 = arith.index_cast %get3A_401 : i32 to index
        %get3A_403 = arith.index_cast %scan3A_400 : i32 to index
        %get3A_404 = arith.constant 0 : index
        %get3A_405 = tpu.vector_load %arg7[%get3A_402, %get3A_403, %get3A_404] {strides = array<i32>} : memref<2x128x64xf32, #tpu.memory_space<vmem>>, vector<16xf32>,
        %mul3A_406 = arith.constant 8.000000e+00 : f32
        %mul3A_407 = vector.broadcast %mul3A_406 : f32 to vector<16xf32>
        %mul3A_408 = arith.mulf %get3A_405, %mul3A_407 : vector<16xf32>
        %add3A_409 = arith.addf %mul3A_408, %get3A_190 : vector<16xf32>
        %swap3A_410 = arith.constant 1 : i32
        %swap3A_411 = arith.index_cast %swap3A_410 : i32 to index
        %swap3A_412 = arith.index_cast %scan3A_400 : i32 to index
        %swap3A_413 = arith.constant 0 : index
        %swap3A_414 = tpu.vector_load %arg7[%swap3A_411, %swap3A_412, %swap3A_413] {strides = array<i32>} : memref<2x128x64xf32, #tpu.memory_space<vmem>>, vector<16xf32>,
        tpu.vector_store %arg7[%swap3A_411, %swap3A_412, %swap3A_413], %add3A_409 {strides = array<i32>} : memref<2x128x64xf32, #tpu.memory_space<vmem>>, vector<16xf32>,
        %get3A_415 = arith.constant 1 : i32
        %get3A_416 = arith.index_cast %get3A_415 : i32 to index
        %get3A_417 = arith.index_cast %scan3A_400 : i32 to index
        %get3A_418 = arith.constant 16 : index
        %get3A_419 = tpu.vector_load %arg7[%get3A_416, %get3A_417, %get3A_418] {strides = array<i32>} : memref<2x128x64xf32, #tpu.memory_space<vmem>>, vector<16xf32>,
        %mul3A_420 = arith.constant 8.000000e+00 : f32
        %mul3A_421 = vector.broadcast %mul3A_420 : f32 to vector<16xf32>
        %mul3A_422 = arith.mulf %get3A_419, %mul3A_421 : vector<16xf32>
        %add3A_423 = arith.addf %mul3A_422, %get3A_193 : vector<16xf32>
        %swap3A_424 = arith.constant 1 : i32
        %swap3A_425 = arith.index_cast %swap3A_424 : i32 to index
        %swap3A_426 = arith.index_cast %scan3A_400 : i32 to index
        %swap3A_427 = arith.constant 16 : index
        %swap3A_428 = tpu.vector_load %arg7[%swap3A_425, %swap3A_426, %swap3A_427] {strides = array<i32>} : memref<2x128x64xf32, #tpu.memory_space<vmem>>, vector<16xf32>,
        tpu.vector_store %arg7[%swap3A_425, %swap3A_426, %swap3A_427], %add3A_423 {strides = array<i32>} : memref<2x128x64xf32, #tpu.memory_space<vmem>>, vector<16xf32>,
        %get3A_429 = arith.constant 1 : i32
        %get3A_430 = arith.index_cast %get3A_429 : i32 to index
        %get3A_431 = arith.index_cast %scan3A_400 : i32 to index
        %get3A_432 = arith.constant 32 : index
        %get3A_433 = tpu.vector_load %arg7[%get3A_430, %get3A_431, %get3A_432] {strides = array<i32>} : memref<2x128x64xf32, #tpu.memory_space<vmem>>, vector<16xf32>,
        %mul3A_434 = arith.constant 8.000000e+00 : f32
        %mul3A_435 = vector.broadcast %mul3A_434 : f32 to vector<16xf32>
        %mul3A_436 = arith.mulf %get3A_433, %mul3A_435 : vector<16xf32>
        %add3A_437 = arith.addf %mul3A_436, %get3A_196 : vector<16xf32>
        %swap3A_438 = arith.constant 1 : i32
        %swap3A_439 = arith.index_cast %swap3A_438 : i32 to index
        %swap3A_440 = arith.index_cast %scan3A_400 : i32 to index
        %swap3A_441 = arith.constant 32 : index
        %swap3A_442 = tpu.vector_load %arg7[%swap3A_439, %swap3A_440, %swap3A_441] {strides = array<i32>} : memref<2x128x64xf32, #tpu.memory_space<vmem>>, vector<16xf32>,
        tpu.vector_store %arg7[%swap3A_439, %swap3A_440, %swap3A_441], %add3A_437 {strides = array<i32>} : memref<2x128x64xf32, #tpu.memory_space<vmem>>, vector<16xf32>,
        %get3A_443 = arith.constant 1 : i32
        %get3A_444 = arith.index_cast %get3A_443 : i32 to index
        %get3A_445 = arith.index_cast %scan3A_400 : i32 to index
        %get3A_446 = arith.constant 48 : index
        %get3A_447 = tpu.vector_load %arg7[%get3A_444, %get3A_445, %get3A_446] {strides = array<i32>} : memref<2x128x64xf32, #tpu.memory_space<vmem>>, vector<16xf32>,
        %mul3A_448 = arith.constant 8.000000e+00 : f32
        %mul3A_449 = vector.broadcast %mul3A_448 : f32 to vector<16xf32>
        %mul3A_450 = arith.mulf %get3A_447, %mul3A_449 : vector<16xf32>
        %add3A_451 = arith.addf %mul3A_450, %get3A_199 : vector<16xf32>
        %swap3A_452 = arith.constant 1 : i32
        %swap3A_453 = arith.index_cast %swap3A_452 : i32 to index
        %swap3A_454 = arith.index_cast %scan3A_400 : i32 to index
        %swap3A_455 = arith.constant 48 : index
        %swap3A_456 = tpu.vector_load %arg7[%swap3A_453, %swap3A_454, %swap3A_455] {strides = array<i32>} : memref<2x128x64xf32, #tpu.memory_space<vmem>>, vector<16xf32>,
        tpu.vector_store %arg7[%swap3A_453, %swap3A_454, %swap3A_455], %add3A_451 {strides = array<i32>} : memref<2x128x64xf32, #tpu.memory_space<vmem>>, vector<16xf32>,
        %scan3A_457 = arith.constant 0 : i32
        scf.yield %scan3A_457 : i32
      }
      %scan3A_206 = arith.constant 128 : i32
      %dma_start3A_207 = arith.constant 1 : i32
      %dma_start3A_208 = arith.constant 0 : i32
      %dma_start3A_209 = arith.constant 0 : i32
      %dma_start3A_210 = tpu.memref_slice %arg7[%dma_start3A_207, %dma_start3A_208, %dma_start3A_209] : memref<2x128x64xf32, #tpu.memory_space<vmem>> -> memref<1x128x64xf32, #tpu.memory_space<vmem>>
      %dma_start3A_211 = tpu.memref_squeeze %dma_start3A_210 : memref<1x128x64xf32, #tpu.memory_space<vmem>> -> memref<128x64xf32, #tpu.memory_space<vmem>>
      %dma_start3A_212 = arith.constant 0 : i32
      %dma_start3A_213 = tpu.memref_slice %arg5[%add3A_156, %mul3A_2, %dma_start3A_212] : memref<200x4096x64xf32, #tpu.memory_space<hbm>> -> memref<1x128x64xf32, #tpu.memory_space<hbm>>
      %dma_start3A_214 = tpu.memref_squeeze %dma_start3A_213 : memref<1x128x64xf32, #tpu.memory_space<hbm>> -> memref<128x64xf32, #tpu.memory_space<hbm>>
      %dma_start3A_215 = arith.constant 0 : i32
      %dma_start3A_216 = tpu.memref_slice %arg5[%add3A_156, %mul3A_2, %dma_start3A_215] : memref<200x4096x64xf32, #tpu.memory_space<hbm>> -> memref<1x128x64xf32, #tpu.memory_space<hbm>>
      %dma_start3A_217 = tpu.memref_squeeze %dma_start3A_216 : memref<1x128x64xf32, #tpu.memory_space<hbm>> -> memref<128x64xf32, #tpu.memory_space<hbm>>
      %dma_start3A_218 = arith.constant 0 : i32
      %dma_start3A_219 = arith.constant 0 : i32
      %dma_start3A_220 = tpu.memref_slice %arg7[%dma_start3A_207, %dma_start3A_218, %dma_start3A_219] : memref<2x128x64xf32, #tpu.memory_space<vmem>> -> memref<1x128x64xf32, #tpu.memory_space<vmem>>
      %dma_start3A_221 = tpu.memref_squeeze %dma_start3A_220 : memref<1x128x64xf32, #tpu.memory_space<vmem>> -> memref<128x64xf32, #tpu.memory_space<vmem>>
      tpu.enqueue_dma source(%dma_start3A_221 : memref<128x64xf32, #tpu.memory_space<vmem>>) target(%dma_start3A_217 : memref<128x64xf32, #tpu.memory_space<hbm>>) target_semaphore(%arg14 : memref<!tpu.dma_semaphore, #tpu.memory_space<semaphore_mem>>)
      %scan3A_222 = arith.constant 0 : i32
      scf.yield %scan3A_222 : i32
    }
    %scan3A_54 = arith.constant 100 : i32
    %dma_wait3A_55 = arith.constant 0 : i32
    %dma_wait3A_56 = arith.constant 198 : i32
    %dma_wait3A_57 = arith.constant 0 : i32
    %dma_wait3A_58 = arith.constant 0 : i32
    %dma_wait3A_59 = tpu.memref_slice %arg7[%dma_wait3A_55, %dma_wait3A_57, %dma_wait3A_58] : memref<2x128x64xf32, #tpu.memory_space<vmem>> -> memref<1x128x64xf32, #tpu.memory_space<vmem>>
    %dma_wait3A_60 = tpu.memref_squeeze %dma_wait3A_59 : memref<1x128x64xf32, #tpu.memory_space<vmem>> -> memref<128x64xf32, #tpu.memory_space<vmem>>
    %dma_wait3A_61 = arith.constant 0 : i32
    %dma_wait3A_62 = tpu.memref_slice %arg5[%dma_wait3A_56, %mul3A_2, %dma_wait3A_61] : memref<200x4096x64xf32, #tpu.memory_space<hbm>> -> memref<1x128x64xf32, #tpu.memory_space<hbm>>
    %dma_wait3A_63 = tpu.memref_squeeze %dma_wait3A_62 : memref<1x128x64xf32, #tpu.memory_space<hbm>> -> memref<128x64xf32, #tpu.memory_space<hbm>>
    %dma_wait3A_64 = arith.constant 0 : i32
    %dma_wait3A_65 = tpu.memref_slice %arg5[%dma_wait3A_56, %mul3A_2, %dma_wait3A_64] : memref<200x4096x64xf32, #tpu.memory_space<hbm>> -> memref<1x128x64xf32, #tpu.memory_space<hbm>>
    %dma_wait3A_66 = tpu.memref_squeeze %dma_wait3A_65 : memref<1x128x64xf32, #tpu.memory_space<hbm>> -> memref<128x64xf32, #tpu.memory_space<hbm>>
    %dma_wait3A_67 = arith.constant 0 : i32
    %dma_wait3A_68 = arith.constant 0 : i32
    %dma_wait3A_69 = tpu.memref_slice %arg7[%dma_wait3A_55, %dma_wait3A_67, %dma_wait3A_68] : memref<2x128x64xf32, #tpu.memory_space<vmem>> -> memref<1x128x64xf32, #tpu.memory_space<vmem>>
    %dma_wait3A_70 = tpu.memref_squeeze %dma_wait3A_69 : memref<1x128x64xf32, #tpu.memory_space<vmem>> -> memref<128x64xf32, #tpu.memory_space<vmem>>
    tpu.wait_dma2 semaphore(%arg13 : memref<!tpu.dma_semaphore, #tpu.memory_space<semaphore_mem>>) src(%dma_wait3A_70 : memref<128x64xf32, #tpu.memory_space<vmem>>) dst(%dma_wait3A_66 : memref<128x64xf32, #tpu.memory_space<hbm>>)
    %dma_wait3A_71 = arith.constant 1 : i32
    %dma_wait3A_72 = arith.constant 199 : i32
    %dma_wait3A_73 = arith.constant 0 : i32
    %dma_wait3A_74 = arith.constant 0 : i32
    %dma_wait3A_75 = tpu.memref_slice %arg7[%dma_wait3A_71, %dma_wait3A_73, %dma_wait3A_74] : memref<2x128x64xf32, #tpu.memory_space<vmem>> -> memref<1x128x64xf32, #tpu.memory_space<vmem>>
    %dma_wait3A_76 = tpu.memref_squeeze %dma_wait3A_75 : memref<1x128x64xf32, #tpu.memory_space<vmem>> -> memref<128x64xf32, #tpu.memory_space<vmem>>
    %dma_wait3A_77 = arith.constant 0 : i32
    %dma_wait3A_78 = tpu.memref_slice %arg5[%dma_wait3A_72, %mul3A_2, %dma_wait3A_77] : memref<200x4096x64xf32, #tpu.memory_space<hbm>> -> memref<1x128x64xf32, #tpu.memory_space<hbm>>
    %dma_wait3A_79 = tpu.memref_squeeze %dma_wait3A_78 : memref<1x128x64xf32, #tpu.memory_space<hbm>> -> memref<128x64xf32, #tpu.memory_space<hbm>>
    %dma_wait3A_80 = arith.constant 0 : i32
    %dma_wait3A_81 = tpu.memref_slice %arg5[%dma_wait3A_72, %mul3A_2, %dma_wait3A_80] : memref<200x4096x64xf32, #tpu.memory_space<hbm>> -> memref<1x128x64xf32, #tpu.memory_space<hbm>>
    %dma_wait3A_82 = tpu.memref_squeeze %dma_wait3A_81 : memref<1x128x64xf32, #tpu.memory_space<hbm>> -> memref<128x64xf32, #tpu.memory_space<hbm>>
    %dma_wait3A_83 = arith.constant 0 : i32
    %dma_wait3A_84 = arith.constant 0 : i32
    %dma_wait3A_85 = tpu.memref_slice %arg7[%dma_wait3A_71, %dma_wait3A_83, %dma_wait3A_84] : memref<2x128x64xf32, #tpu.memory_space<vmem>> -> memref<1x128x64xf32, #tpu.memory_space<vmem>>
    %dma_wait3A_86 = tpu.memref_squeeze %dma_wait3A_85 : memref<1x128x64xf32, #tpu.memory_space<vmem>> -> memref<128x64xf32, #tpu.memory_space<vmem>>
    tpu.wait_dma2 semaphore(%arg14 : memref<!tpu.dma_semaphore, #tpu.memory_space<semaphore_mem>>) src(%dma_wait3A_86 : memref<128x64xf32, #tpu.memory_space<vmem>>) dst(%dma_wait3A_82 : memref<128x64xf32, #tpu.memory_space<hbm>>)
    return
  }
}

module attributes {stable_mosaic.version = 14 : i64} {
  func.func @_mask_body(%arg0: memref<200x200xf32, #tpu.memory_space<vmem>>) attributes {dimension_semantics = [], scalar_prefetch = 0 : i64, scratch_operands = 0 : i64, tpu.core_type = #tpu.core_type<tc>} {
    %iota3A = tpu.iota {dimensions = array<i32: 0>} : vector<200x200xi32>
    %iota3A_0 = tpu.iota {dimensions = array<i32: 1>} : vector<200x200xi32>
    %ge3A = arith.cmpi sge, %iota3A, %iota3A_0 : vector<200x200xi32>
    %jit3A = arith.constant 0.000000e+00 : f32
    %jit3A_1 = arith.constant 0xFF800000 : f32
    %broadcast_in_dim3A = vector.broadcast %jit3A : f32 to vector<200x200xf32>
    %broadcast_in_dim3A_2 = vector.broadcast %jit3A_1 : f32 to vector<200x200xf32>
    %select_n3A = arith.select %ge3A, %broadcast_in_dim3A, %broadcast_in_dim3A_2 : vector<200x200xi1>, vector<200x200xf32>
    %swap3A = arith.constant 0 : index
    %swap3A_3 = arith.constant 0 : index
    %swap3A_4 = vector.load %arg0[%swap3A, %swap3A_3] : memref<200x200xf32, #tpu.memory_space<vmem>>, vector<200x200xf32>
    tpu.vector_store %arg0[%swap3A, %swap3A_3], %select_n3A {strides = array<i32>} : memref<200x200xf32, #tpu.memory_space<vmem>>, vector<200x200xf32>,
    return
  }
}

</mosaic_0001>

<sc_bundles>
// kernel: kernel.4.cloned.1.call-start
scs
__scs_entry_jumppad:
0x0: {  	(pc) =	sbr.rel $0x88, $3  }
0x1: {  	(tag) =	ssettag $0x0;
	lr =	simm.s32 $0x1  }
0x2: {  	[smem:$0x3F9F] =	sst lr;
	_ =	strace $0xD0000000  }
0x3: {  	_ = 	snop  }
0x4: {  	_ = 	snop  }
0x5: {  	_ = 	snop  }
0x6: {  	_ = 	snop  }
0x7: {  	_ = 	snop  }
__scs_overlays_trampoline_lowered:
0x8: {  	[smem:$0x3FAE] =	sst s0  }
0x9: {  	[smem:$0x3FAF] =	sst s1  }
0xa: {  	[smem:$0x3FB0] =	sst s2  }
0xb: {  	[smem:$0x3FB1] =	sst s3  }
0xc: {  	[smem:$0x3FB2] =	sst s4  }
0xd: {  	[smem:$0x3FB3] =	sst s5  }
0xe: {  	[smem:$0x3FB4] =	sst s6  }
0xf: {  	[smem:$0x3FB5] =	sst s7  }
0x10: {  	[smem:$0x3FB6] =	sst s8  }
0x11: {  	[smem:$0x3FB7] =	sst s9;
	s0 =	simm.s32 @!p0 $0x0  }
0x12: {  	s1 =	sld [smem:$0x3F9D];
	s0 =	simm.s32 @p0 $0x1  }
0x13: {  	[smem:$0x3FB8] =	sst s0;
	s0 =	simm.s32 @!p1 $0x0  }
0x14: {  	s2 =	sld [smem:$0x3F9C];
	s0 =	simm.s32 @p1 $0x1  }
0x15: {  	[smem:$0x3FB9] =	sst s0;
	s0 =	simm.s32 @!p2 $0x0  }
0x16: {  	s3 =	sld [smem:$0x3FDB];
	s0 =	simm.s32 @p2 $0x1  }
0x17: {  	s4 =	simm.s32 $0x1BF5;
	[smem:$0x3FBB] =	sst s0  }
0x18: {  	s0 =	sld [smem:$0x3F9E];
	_ =	swait.ge [sflag:s4], $0x0  }
0x19: {  	s7 =	sld [smem:$0x3F9F]  }
0x1a: {  	s8 =	sadd.s32 $0xFFFFE003, lr  }
0x1b: {  	s9 =	sadd.s32 $0xFFFFFEF7, lr;
	s5 =	simm.s32 $0xFFFFFFFF;
	p2 =	slt.u32 s8, $0xFFFFF086  }
0x1c: {  	p1 =	slt.u32 s9, $0xF7A;
	s5 =	simm.s32 @!p2 $0x0  }
0x1d: {  	s5 =	simm.s32 @p1 $0x1;
	p0 =	seq.s32 s7, s2  }
0x1e: {  	s7 =	smul.u32 @!p0 $0xF7A, s2;
	p2 =	seq.s32 @!p0 s5, $0x0  }
0x1f: {  	s9 =	smul.u32 $0xF7A, s1;
	s8 =	simm.s32 @!p0 $0x1BF5;
	p2 =	por !p2, p0  }
0x20: {  	[sflag:s8] =	ssyncset.s32 @!p0 $0xFFFFF086;
	s6 =	sadd.s32 @!p0 s3, s7;
	s7 =	simm.s32 @!p0 $0x108  }
0x21: {  	s3 =	sadd.s32 s3, s9;
	s6 =	sadd.s32 @!p0 $0x88, s6;
	s7 =	simm.s32 @p2 $0x1082  }
0x22: {  	[simem:s7], [sflag:s8] =	dma.local @!p0 [hbm:s6], $0xF7A  }
0x23: {  	s9 =	sor.u32 $0xD0000000, s2;
	s6 =	simm.s32 $0x108;
	_ =	swait.ge @!p0 [sflag:s8], $0x0  }
0x24: {  	s3 =	sadd.s32 $0x88, s3;
	s6 =	simm.s32 @!p1 $0x1082;
	[sflag:s4] =	ssyncset.s32 $0xFFFFF086  }
0x25: {  	[simem:s6], [sflag:s4] =	dma.local [hbm:s3], $0xF7A  }
0x26: {  	[smem:$0x3F9F] =	sst s1;
	(tag) =	ssettag s2;
	_ =	strace s9  }
0x27: {  	s1 =	sld [smem:$0x3FAF]  }
0x28: {  	s2 =	sld [smem:$0x3FB0]  }
0x29: {  	s4 =	sld [smem:$0x3FB2]  }
0x2a: {  	p0 =	seq.s32 s5, $0x0;
	s5 =	sld [smem:$0x3FB3]  }
0x2b: {  	s6 =	sld [smem:$0x3FB4]  }
0x2c: {  	s7 =	sld [smem:$0x3FB5]  }
0x2d: {  	s3 =	simm.s32 $0x108;
	s8 =	sld [smem:$0x3FB6]  }
0x2e: {  	s3 =	simm.s32 @!p0 $0x1082;
	s9 =	sld [smem:$0x3FB7]  }
0x2f: {  	lr =	sadd.s32 s0, s3;
	s0 =	sld [smem:$0x3FAE]  }
0x30: {  	s3 =	sld [smem:$0x3FB1]  }
0x31: {  	[smem:$0x3FBA] =	sst s10  }
0x32: {  	s10 =	sld [smem:$0x3FB8];
	_ =	sdelay $0x3  }
0x33: {  	p0 =	seq.s32 s10, $0x1;
	s10 =	sld [smem:$0x3FBA];
	_ =	sdelay $0x3  }
0x34: {  	[smem:$0x3FBA] =	sst s10  }
0x35: {  	s10 =	sld [smem:$0x3FB9];
	_ =	sdelay $0x3  }
0x36: {  	p1 =	seq.s32 s10, $0x1;
	s10 =	sld [smem:$0x3FBA];
	_ =	sdelay $0x3  }
0x37: {  	[smem:$0x3FBA] =	sst s10  }
0x38: {  	s10 =	sld [smem:$0x3FBB]  }
0x39: {  	_ = 	snop;
	(pc) =	sbr.ind lr, $3  }
0x3a: {  	_ = 	snop  }
0x3b: {  	_ = 	snop  }
0x3c: {  	p2 =	seq.s32 s10, $0x1;
	s10 =	sld [smem:$0x3FBA]  }
0x3d: {  	_ =	shalt  }
0x3e: {  	_ =	shalt  }
0x3f: {  	_ =	shalt  }
0x40: {  	_ =	shalt  }
0x41: {  	_ =	shalt  }
0x42: {  	_ =	shalt  }
0x43: {  	_ =	shalt  }
0x44: {  	_ =	shalt  }
0x45: {  	_ =	shalt  }
0x46: {  	_ =	shalt  }
0x47: {  	_ =	shalt  }
0x48: {  	_ =	shalt  }
0x49: {  	_ =	shalt  }
0x4a: {  	_ =	shalt  }
0x4b: {  	_ =	shalt  }
0x4c: {  	_ =	shalt  }
0x4d: {  	_ =	shalt  }
0x4e: {  	_ =	shalt  }
0x4f: {  	_ =	shalt  }
0x50: {  	_ =	shalt  }
0x51: {  	_ =	shalt  }
0x52: {  	_ =	shalt  }
0x53: {  	_ =	shalt  }
0x54: {  	_ =	shalt  }
0x55: {  	_ =	shalt  }
0x56: {  	_ =	shalt  }
0x57: {  	_ =	shalt  }
0x58: {  	_ =	shalt  }
0x59: {  	_ =	shalt  }
0x5a: {  	_ =	shalt  }
0x5b: {  	_ =	shalt  }
0x5c: {  	_ =	shalt  }
0x5d: {  	_ =	shalt  }
0x5e: {  	_ =	shalt  }
0x5f: {  	_ =	shalt  }
0x60: {  	_ =	shalt  }
0x61: {  	_ =	shalt  }
0x62: {  	_ =	shalt  }
0x63: {  	_ =	shalt  }
0x64: {  	_ =	shalt  }
0x65: {  	_ =	shalt  }
0x66: {  	_ =	shalt  }
0x67: {  	_ =	shalt  }
0x68: {  	_ =	shalt  }
0x69: {  	_ =	shalt  }
0x6a: {  	_ =	shalt  }
0x6b: {  	_ =	shalt  }
0x6c: {  	_ =	shalt  }
0x6d: {  	_ =	shalt  }
0x6e: {  	_ =	shalt  }
0x6f: {  	_ =	shalt  }
0x70: {  	_ =	shalt  }
0x71: {  	_ =	shalt  }
0x72: {  	_ =	shalt  }
0x73: {  	_ =	shalt  }
0x74: {  	_ =	shalt  }
0x75: {  	_ =	shalt  }
0x76: {  	_ =	shalt  }
0x77: {  	_ =	shalt  }
0x78: {  	_ =	shalt  }
0x79: {  	_ =	shalt  }
0x7a: {  	_ =	shalt  }
0x7b: {  	_ =	shalt  }
0x7c: {  	_ =	shalt  }
0x7d: {  	_ =	shalt  }
0x7e: {  	_ =	shalt  }
0x7f: {  	_ =	shalt  }
0x80: {  	_ =	shalt  }
0x81: {  	_ =	shalt  }
0x82: {  	_ =	shalt  }
0x83: {  	_ =	shalt  }
0x84: {  	_ =	shalt  }
0x85: {  	_ =	shalt  }
0x86: {  	_ =	shalt  }
0x87: {  	_ =	shalt  }
.Lfunc_end0:
.L_simem_size_0:
called_computation.1_lowered:
.L_overlay_start_0:
0x88: {  	s2 =	sld [smem:$0x3FD9]  }
0x89: {  	s3 =	sld [smem:$0x3FFE];
	_ =	sdelay $0x1  }
0x8a: {  	s1 =	srdreg.scid  }
0x8b: {  	s0 =	sand.u32 $0x1, s1  }
0x8c: {  	s14 =	sshll.u32 s0, $0xA;
	s2 =	sadd.s32 s3, s2  }
0x8d: {  	s2 =	sadd.s32 s2, s14  }
0x8e: {  	[smem:$0x3FC6] =	sst s2  }
0x8f: {  	_ = 	snop  }
0x90: {  	s2 =	sld [smem:$0x3FD0];
	_ =	sdelay $0x2  }
0x91: {  	s15 =	simm.s32 $0xA;
	s4 =	simm.s32 $0x10  }
0x92: {  	[smem:s4], [sflag:s15] =	dma.local [hbm:s2], $0x1  }
0x93: {  	_ =	swait.eq [sflag:s15], $0x1  }
0x94: {  	[sflag:s15] =	ssyncset.done $0x0  }
0x95: {  	s16 =	sld [smem:$0x10];
	[sflag:s15] =	ssyncadd.s32 $0xFFFFFFFF  }
0x96: {  	s17 =	sld [smem:$0x11];
	(tm) =	ssettm $0x1  }
0x97: {  	s18 =	sld [smem:$0x3FFB];
	_ =	sdelay $0x3  }
0x98: {  	_ =	strace s18  }
0x99: {  	s4 =	sld [smem:$0x3FFC];
	_ =	sdelay $0x3  }
0x9a: {  	_ =	strace s4  }
0x9b: {  	s4 =	sld [smem:$0x3FFD];
	_ =	sdelay $0x3  }
0x9c: {  	_ =	strace s4  }
0x9d: {  	_ =	strace $0x8FFFFFFF  }
0x9e: {  	s19 =	sld [smem:$0x3FDB];
	_ =	sdelay $0x1  }
0x9f: {  	s5 =	simm.s32 $_scs_section_size  }
0xa0: {  	s6 =	simm.s32 $_size__tile_overlayer_lowered;
	s7 =	simm.s32 $_tile_overlayer_lowered  }
0xa1: {  	s22 =	simm.s32 $0x1BFF;
	s21 =	sshll.u32 s7, $0x1;
	s4 =	sadd.s32 s5, s19  }
0xa2: {  	s8 =	simm.s32 $0x0;
	s20 =	sshll.u32 s6, $0x1;
	s6 =	sadd.s32 s21, s4  }
0xa3: {  	[timem:s8], [sflag:s22] =	dma.local [hbm:s6], s20  }
0xa4: {  	_ =	swait.ge [sflag:s22], s20  }
0xa5: {  	s5 =	ssub.s32 $0x0, s20;
	[sflag:s22] =	ssyncset.done $0x0  }
0xa6: {  	[sflag:s22] =	ssyncadd.s32 s5;
	_ =	sdelay $0x1  }
0xa7: {  	s23 =	simm.s32 $0x1B8B  }
0xa8: {  	_ =	swait.ge [sflag:s23], $0x1  }
0xa9: {  	[sflag:s23] =	ssyncset.done $0x0  }
0xaa: {  	s25 =	simm.s32 $0x1B8E;
	s24 =	sld [smem:$0x3FFE];
	[sflag:s23] =	ssyncadd.s32 $0xFFFFFFFF  }
0xab: {  	s26 =	simm.s32 $execute0_lowered;
	[smem:$0x3FD2] =	sst s25  }
0xac: {  	s6 =	sshll.u32 s26, $0x1;
	_ =	strace $0x80000046;
	[dreg:$0x1] =	wrdreg $0xFFFFFFFF  }
0xad: {  	s28 =	simm.s32 $_size_execute0_lowered;
	s4 =	sadd.s32 s4, s6;
	[dreg:$0x0] =	wrdreg $0x0  }
0xae: {  	s6 =	sshll.u32 s28, $0x1;
	[dreg:$0x2] =	wrdreg s4  }
0xaf: {  	[dreg:$0x3] =	wrdreg s6  }
0xb0: {  	[dreg:$0x4] =	wrdreg $0xC0  }
0xb1: {  	_ =	task [dreg:s8], $0x5FFFF  }
0xb2: {  	[dreg:$0x1] =	wrdreg $0xFFFFFFFF  }
0xb3: {  	[dreg:$0x0] =	wrdreg $0x60  }
0xb4: {  	[dreg:$0x2] =	wrdreg s24  }
0xb5: {  	[dreg:$0x3] =	wrdreg s17  }
0xb6: {  	[dreg:$0x4] =	wrdreg s16  }
0xb7: {  	[dreg:$0x5] =	wrdreg $0x9  }
0xb8: {  	_ =	task.clear_ibuf [dreg:s8], $0x6FFFF;
	_ =	strace $0x90000046  }
0xb9: {  	s29 =	simm.s32 $0x9;
	_ =	strace $0x80000048  }
0xba: {  	_ =	swait.ge [sflag:s29], $0x1  }
0xbb: {  	[sflag:s29] =	ssyncadd.s32 $0xFFFFFFFF  }
0xbc: {  	_ =	strace $0x90000048  }
0xbd: {  	_ =	sfence  }
0xbe: {  	s30 =	sld [smem:$0x0];
	_ =	sdelay $0x2  }
0xbf: {  	s31 =	sshll.u32 s1, $0xD;
	s1 =	sshrl.u32 s1, $0x2  }
0xc0: {  	s3 =	sand.u32 $0x4000, s31;
	s1 =	sadd.s32 s1, s30  }
0xc1: {  	s0 =	sor.u32 s3, s0;
	s1 =	sshll.u32 s1, $0x11  }
0xc2: {  	s0 =	sor.u32 s1, s0  }
0xc3: {  	s0 =	sadd.s32 $0x8F2B, s0  }
0xc4: {  	[sflag:s0] =	ssyncadd.remote.s32 $0x1  }
0xc5: {  	_ =	sfence.sel $0xFFFF  }
0xc6: {  	[dreg:$0x0] =	wrdreg $0xFFFFFFFF;
	(pc) =	sbr.abs _section_cstart, $3  }
0xc7: {  	[dreg:$0x1] =	wrdreg $0xFFFFFFFF  }
0xc8: {  	_ =	task.clear_ibuf [dreg:s8], $0x2FFFF;
	_ =	strace $0x9FFFFFFF  }
0xc9: {  	(tm) =	ssettm $0x7FFFFFFF  }
tec
execute0_lowered:
.L_overlay_start_1:
0x0: {  	(tag) =	ssettag $0x1  }
0x1: {  	s6 =	rddreg [dreg:$0x0]  }
0x2: {  	s1 =	rddreg [dreg:$0x1]  }
0x3: {  	s3 =	rddreg [dreg:$0x2]  }
0x4: {  	s0 =	rddreg [dreg:$0x3]  }
0x5: {  	s5 =	srdreg.scid;
	s4 =	simm.s32 $0x0;
	s2 =	stileid.u32  }
0x6: {  	s13 =	simm.s32 $0x4100;
	s14 =	simm.s32 $0x7;
	s15 =	simm.s32 $0x80  }
0x7: {  	s16 =	simm.s32 $0x1;
	s17 =	simm.s32 $0x100;
	s18 =	simm.s32 $0x2  }
0x8: {  	s19 =	simm.s32 $0x2100;
	s20 =	simm.s32 $0x3;
	s21 =	simm.s32 $0x4  }
0x9: {  	s22 =	simm.s32 $0x6;
	s23 =	simm.s32 $0x5;
	s24 =	simm.s32 $0x0  }
0xa: {  	s7 =	sand.u32 $0x1, s5;
	[smem:$0x7FF] =	sst s4;
	s29 =	sshll.u32 s2, $0x8  }
0xb: {  	s5 =	sadd.s32 $0xC00, s6;
	s8 =	sshll.u32 s7, $0x7;
	s30 =	ssub.s32 $0x2, s7  }
0xc: {  	s6 =	sadd.s32 $0xF43000, s6;
	s11 =	sor.u32 s8, s29;
	s9 =	sshrl.u32 s30, $0x1  }
0xd: {  	_ =	strace $0x80000047;
	s31 =	sshrl.u32 s11, $0x3;
	s12 =	ssub.s32 s30, s9  }
0xe: {  	s9 =	sor.u32 $0x2000, s11;
	s10 =	sor.u32 $0x3000, s11;
	s7 =	sadd.s32 s5, s31  }
0xf: {  	s11 =	sshll.u32 s11, $0x6;
	s12 =	smax.u32 s12, $0x1;
	s8 =	sadd.s32 $0x200, s7  }
.LBB2_1:
0x10: {  	[tilespmem:s13], [sflag:$0x7] =	stream.linear.gather [hbm4b:s1+s4], $0x3200, $0x38;
	[tilespmem:$0x7300] =	vst v63  }
0x11: {  	_ =	swait.ge [sflag:s14], $0x3200  }
0x12: {  	[sflag:s14] =	ssyncset.done $0x0  }
0x13: {  	[sflag:s14] =	ssyncadd.s32 $0xFFFFCE00  }
0x14: {  	[tilespmem:s4], [sflag:$0x1] =	stream.linear.gather [hbm4b:s7+s4], $0x80, $0x38;
	[tilespmem:$0x7300] =	vst v63  }
0x15: {  	_ = 	snop  }
0x16: {  	[tilespmem:s15], [sflag:$0x2] =	stream.linear.gather [hbm4b:s8+s4], $0x80, $0x38;
	[tilespmem:$0x7300] =	vst v63  }
0x17: {  	_ =	swait.ge [sflag:s16], $0x80  }
0x18: {  	[sflag:s16] =	ssyncset.done $0x0  }
0x19: {  	s25 =	simm.s32 $0x0;
	[sflag:s16] =	ssyncadd.s32 $0xFFFFFF80  }
0x1a: {  	[tilespmem:s17], [sflag:$0x3] =	stream.indirect.gather [hbm4b:s6+s15], $0x40, s4, s15, $0xb8;
	[tilespmem:$0x7300] =	vst v63  }
.LBB2_2:
0x1b: {  	_ =	swait.ge [sflag:s18], $0x80;
	p0 =	seq.s32 s25, $0x63  }
0x1c: {  	[sflag:s18] =	ssyncset.done $0x0;
	p1 =	seq.s32 @!p0 s25, $0x0  }
0x1d: {  	[sflag:s18] =	ssyncadd.s32 $0xFFFFFF80;
	p1 =	por p0, !p1  }
0x1e: {  	[tilespmem:s19], [sflag:$0x4] =	stream.indirect.gather [hbm4b:s6+s15], $0x40, s15, s15, $0xb8;
	[tilespmem:$0x7300] =	vst v63  }
.Ltmp0:
0x1f: {  	s26 =	sshll.u32 @!p0 s25, $0xD;
	(pc) =	sbr.rel @!p1 .LBB2_3-.Ltmp0, $4  }
0x20: {  	s26 =	sadd.s32 @!p0 s9, s26;
	_ =	swait.ge [sflag:s20], $0x2000  }
0x21: {  	s26 =	sshrl.u32 @!p0 s26, $0x3;
	[sflag:s20] =	ssyncset.done $0x0  }
0x22: {  	s28 =	simm.s32 @!p0 $0x0;
	s26 =	sadd.s32 @!p0 s5, s26;
	[sflag:s20] =	ssyncadd.s32 $0xFFFFE000  }
0x23: {  	[tilespmem:s28], [sflag:$0x1] =	stream.linear.gather @!p0 [hbm4b:s26+s28], $0x80, $0x38;
	[tilespmem:$0x7300] =	vst v63  }
.Ltmp1:
0x24: {  	(pc) =	sbr.rel .LBB2_5-.Ltmp1, $4  }
0x25: {  	_ = 	snop  }
0x26: {  	_ =	swait.ge [sflag:s23], $0x2000  }
0x27: {  	[sflag:s23] =	ssyncset.done $0x0  }
0x28: {  	p0 =	por $0x0, $0x0;
	[sflag:s23] =	ssyncadd.s32 $0xFFFFE000  }
.LBB2_3:
0x29: {  	p0 =	por @!p0 $0x1, $0x1  }
.LBB2_5:
0x2a: {  	s28 =	simm.s32 $0x180  }
0x2b: {  	v4 =	vld [tilespmem:s28+$0xFFFFFF80]  }
0x2c: {  	v5 =	vld [tilespmem:s28+$0xFFFFFF90]  }
0x2d: {  	v6 =	vld [tilespmem:s28+$0xFFFFFFA0]  }
0x2e: {  	v7 =	vld [tilespmem:s28+$0xFFFFFFB0]  }
0x2f: {  	s26 =	sshll.u32 s25, $0x7;
	v8 =	vld [tilespmem:s28+$0xFFFFFFC0]  }
0x30: {  	s26 =	sand.u32 $0x3FFFFF80, s26;
	v9 =	vld [tilespmem:s28+$0xFFFFFFD0]  }
0x31: {  	v3 =	vld [tilespmem:s26+$0x4100]  }
0x32: {  	v2 =	vld [tilespmem:s26+$0x4110]  }
0x33: {  	v1 =	vld [tilespmem:s26+$0x4120]  }
0x34: {  	v0 =	vld [tilespmem:s26+$0x4130];
	v4 =	vmul.f32 $8.000000000e+00, v4  }
0x35: {  	v10 =	vld [tilespmem:s28+$0xFFFFFFE0];
	v5 =	vmul.f32 $8.000000000e+00, v5  }
0x36: {  	v11 =	vld [tilespmem:s28+$0x0];
	v6 =	vmul.f32 $8.000000000e+00, v6;
	v4 =	vadd.f32 v4, v3  }
0x37: {  	v12 =	vld [tilespmem:s28+$0x10];
	v7 =	vmul.f32 $8.000000000e+00, v7;
	v5 =	vadd.f32 v5, v2  }
0x38: {  	[tilespmem:s28+$0xFFFFFF80] =	vst v4;
	v4 =	vadd.f32 v6, v1;
	v6 =	vmul.f32 $8.000000000e+00, v8;
	v8 =	vld [tilespmem:s28+$0x20]  }
0x39: {  	v13 =	vld [tilespmem:s28+$0x30];
	[tilespmem:s28+$0xFFFFFF90] =	vst v5;
	v5 =	vadd.f32 v7, v0;
	v7 =	vmul.f32 $8.000000000e+00, v9  }
0x3a: {  	v9 =	vmul.f32 $8.000000000e+00, v10;
	[tilespmem:s28+$0xFFFFFFA0] =	vst v4;
	v6 =	vadd.f32 v6, v3;
	v4 =	vld [tilespmem:s28+$0x40]  }
0x3b: {  	v10 =	vmul.f32 $8.000000000e+00, v11;
	[tilespmem:s28+$0xFFFFFFB0] =	vst v5;
	v7 =	vadd.f32 v7, v2;
	v5 =	vld [tilespmem:s28+$0x50]  }
0x3c: {  	v12 =	vmul.f32 $8.000000000e+00, v12;
	v11 =	vadd.f32 v9, v1;
	[tilespmem:s28+$0xFFFFFFC0] =	vst v6;
	v6 =	vld [tilespmem:s28+$0x60]  }
0x3d: {  	v9 =	vadd.f32 v10, v3;
	[tilespmem:s28+$0xFFFFFFD0] =	vst v7;
	v7 =	vld [tilespmem:s28+$0x70];
	v10 =	vmul.f32 $8.000000000e+00, v8  }
0x3e: {  	s29 =	simm.s32 $0x0;
	s30 =	simm.s32 $0x280;
	s26 =	sshllo.u32 s25, $0x1;
	[tilespmem:s28+$0xFFFFFFE0] =	vst v11;
	v11 =	vadd.f32 v12, v2;
	v12 =	vmul.f32 $8.000000000e+00, v13;
	v8 =	vld [tilespmem:s28+$0xFFFFFFF0]  }
.LBB2_6:
0x3f: {  	v13 =	vld [tilespmem:s30+$0xFFFFFF80];
	[tilespmem:s28+$0x0] =	vst v9;
	v9 =	vadd.f32 v10, v1;
	v4 =	vmul.f32 $8.000000000e+00, v4  }
0x40: {  	v10 =	vld [tilespmem:s30+$0xFFFFFF90];
	[tilespmem:s28+$0x10] =	vst v11;
	v11 =	vadd.f32 v12, v0;
	v5 =	vmul.f32 $8.000000000e+00, v5  }
0x41: {  	v12 =	vld [tilespmem:s30+$0xFFFFFFA0];
	[tilespmem:s28+$0x20] =	vst v9;
	v4 =	vadd.f32 v4, v3;
	v6 =	vmul.f32 $8.000000000e+00, v6  }
0x42: {  	v9 =	vld [tilespmem:s30+$0xFFFFFFB0];
	[tilespmem:s28+$0x30] =	vst v11;
	v5 =	vadd.f32 v5, v2;
	v7 =	vmul.f32 $8.000000000e+00, v7  }
0x43: {  	v11 =	vld [tilespmem:s30+$0xFFFFFFC0];
	v8 =	vmul.f32 $8.000000000e+00, v8;
	[tilespmem:s28+$0x40] =	vst v4;
	v4 =	vadd.f32 v6, v1  }
0x44: {  	v6 =	vmul.f32 $8.000000000e+00, v13;
	v13 =	vld [tilespmem:s30+$0xFFFFFFD0];
	[tilespmem:s28+$0x50] =	vst v5;
	v5 =	vadd.f32 v7, v0  }
0x45: {  	v7 =	vmul.f32 $8.000000000e+00, v10;
	v10 =	vld [tilespmem:s30+$0xFFFFFFE0];
	v8 =	vadd.f32 v8, v0;
	[tilespmem:s28+$0x60] =	vst v4  }
0x46: {  	v4 =	vadd.f32 v6, v3;
	v6 =	vmul.f32 $8.000000000e+00, v12;
	v12 =	vld [tilespmem:s30+$0x0];
	[tilespmem:s28+$0x70] =	vst v5  }
0x47: {  	v5 =	vadd.f32 v7, v2;
	v7 =	vmul.f32 $8.000000000e+00, v9;
	v9 =	vld [tilespmem:s30+$0x10];
	[tilespmem:s28+$0xFFFFFFF0] =	vst v8;
	s28 =	smov.u32 s30  }
0x48: {  	s29 =	sadd.s32 $0x4, s29;
	[tilespmem:s30+$0xFFFFFF80] =	vst v4;
	v4 =	vadd.f32 v6, v1;
	v6 =	vmul.f32 $8.000000000e+00, v11;
	v8 =	vld [tilespmem:s30+$0x20]  }
0x49: {  	p1 =	slt.u32 s29, $0x7C;
	[tilespmem:s30+$0xFFFFFF90] =	vst v5;
	v5 =	vadd.f32 v7, v0;
	v7 =	vmul.f32 $8.000000000e+00, v13;
	v13 =	vld [tilespmem:s30+$0x30]  }
.Ltmp2:
0x4a: {  	[tilespmem:s30+$0xFFFFFFA0] =	vst v4;
	v6 =	vadd.f32 v6, v3;
	v10 =	vmul.f32 $8.000000000e+00, v10;
	v4 =	vld [tilespmem:s30+$0x40];
	(pc) =	sbr.rel @p1 .LBB2_6-.Ltmp2, $4  }
0x4b: {  	[tilespmem:s30+$0xFFFFFFB0] =	vst v5;
	v7 =	vadd.f32 v7, v2;
	v11 =	vmul.f32 $8.000000000e+00, v12;
	v5 =	vld [tilespmem:s30+$0x50]  }
0x4c: {  	[tilespmem:s30+$0xFFFFFFC0] =	vst v6;
	v12 =	vadd.f32 v10, v1;
	v14 =	vmul.f32 $8.000000000e+00, v9;
	v6 =	vld [tilespmem:s30+$0x60]  }
0x4d: {  	[tilespmem:s30+$0xFFFFFFD0] =	vst v7;
	v9 =	vadd.f32 v11, v3;
	v10 =	vmul.f32 $8.000000000e+00, v8;
	v7 =	vld [tilespmem:s30+$0x70]  }
0x4e: {  	s30 =	sadd.s32 $0x100, s30;
	[tilespmem:s28+$0xFFFFFFE0] =	vst v12;
	v8 =	vld [tilespmem:s28+$0xFFFFFFF0];
	v11 =	vadd.f32 v14, v2;
	v12 =	vmul.f32 $8.000000000e+00, v13  }
0x4f: {  	[tilespmem:s28+$0x0] =	vst v9;
	v56 =	vadd.f32 v10, v1;
	v4 =	vmul.f32 $8.000000000e+00, v4  }
0x50: {  	[tilespmem:s28+$0x10] =	vst v11;
	v57 =	vadd.f32 v12, v0;
	v5 =	vmul.f32 $8.000000000e+00, v5  }
0x51: {  	[tilespmem:s28+$0x20] =	vst v56;
	v3 =	vadd.f32 v4, v3;
	v58 =	vmul.f32 $8.000000000e+00, v6  }
0x52: {  	[tilespmem:s28+$0x30] =	vst v57;
	v2 =	vadd.f32 v5, v2;
	v59 =	vmul.f32 $8.000000000e+00, v7  }
0x53: {  	p1 =	sne.s32 s25, $0x63;
	v60 =	vmul.f32 $8.000000000e+00, v8;
	[tilespmem:s28+$0x40] =	vst v3;
	v61 =	vadd.f32 v58, v1  }
.Ltmp3:
0x54: {  	s29 =	sshll.u32 s25, $0x13;
	[tilespmem:s28+$0x50] =	vst v2;
	v62 =	vadd.f32 v59, v0;
	(pc) =	sbr.rel @p1 .LBB2_9-.Ltmp3, $4  }
0x55: {  	s29 =	sor.u32 s11, s29;
	v63 =	vadd.f32 v60, v0;
	[tilespmem:s28+$0x60] =	vst v61  }
0x56: {  	s29 =	sshrl.u32 s29, $0x3;
	[tilespmem:s28+$0x70] =	vst v62  }
0x57: {  	s31 =	sadd.s32 s3, s29;
	[tilespmem:s28+$0xFFFFFFF0] =	vst v63  }
0x58: {  	[hbm4b:s31+s4] =	stream.linear.scatter [tilespmem:s17], [sflag:$0x5], $0x2000, $0x38;
	[tilespmem:$0x7300] =	vst v63  }
.Ltmp4:
0x59: {  	(pc) =	sbr.rel .LBB2_10-.Ltmp4, $4  }
0x5a: {  	_ = 	snop  }
0x5b: {  	_ =	swait.ge [sflag:s21], $0x2000  }
0x5c: {  	[sflag:s21] =	ssyncset.done $0x0  }
0x5d: {  	[sflag:s21] =	ssyncadd.s32 $0xFFFFE000  }
.LBB2_9:
0x5e: {  	_ =	swait.ge [sflag:s16], $0x80  }
0x5f: {  	[sflag:s16] =	ssyncset.done $0x0  }
0x60: {  	[sflag:s16] =	ssyncadd.s32 $0xFFFFFF80  }
0x61: {  	[tilespmem:s17], [sflag:$0x3] =	stream.indirect.gather [hbm4b:s6+s15], $0x40, s4, s15, $0xb8;
	[tilespmem:$0x7300] =	vst v63  }
.Ltmp5:
0x62: {  	s28 =	sshll.u32 s25, $0xD;
	(pc) =	sbr.rel @p0 .LBB2_11-.Ltmp5, $4  }
0x63: {  	s28 =	sadd.s32 s10, s28;
	_ =	swait.ge [sflag:s21], $0x2000  }
0x64: {  	s28 =	sshrl.u32 s28, $0x3;
	[sflag:s21] =	ssyncset.done $0x0  }
0x65: {  	s28 =	sadd.s32 s5, s28;
	[sflag:s21] =	ssyncadd.s32 $0xFFFFE000  }
0x66: {  	[tilespmem:s15], [sflag:$0x2] =	stream.linear.gather [hbm4b:s28+s4], $0x80, $0x38;
	[tilespmem:$0x7300] =	vst v63  }
.LBB2_10:
0x67: {  	_ =	swait.ge [sflag:s22], $0x2000  }
0x68: {  	[sflag:s22] =	ssyncset.done $0x0  }
0x69: {  	[sflag:s22] =	ssyncadd.s32 $0xFFFFE000  }
.LBB2_11:
0x6a: {  	s28 =	sshll.u32 s26, $0x6  }
0x6b: {  	s28 =	sand.u32 $0x3FFFFFC0, s28  }
0x6c: {  	v3 =	vld [tilespmem:s28+$0x4100]  }
0x6d: {  	v2 =	vld [tilespmem:s28+$0x4110]  }
0x6e: {  	v0 =	vld [tilespmem:s28+$0x4120]  }
0x6f: {  	v1 =	vld [tilespmem:s28+$0x4130];
	s28 =	simm.s32 $0x21F0  }
0x70: {  	v4 =	vld [tilespmem:s28+$0xFFFFFF10]  }
0x71: {  	v5 =	vld [tilespmem:s28+$0xFFFFFF20]  }
0x72: {  	v6 =	vld [tilespmem:s28+$0xFFFFFF30]  }
0x73: {  	v7 =	vld [tilespmem:s28+$0xFFFFFF40]  }
0x74: {  	v8 =	vld [tilespmem:s28+$0xFFFFFF50]  }
0x75: {  	v9 =	vld [tilespmem:s28+$0xFFFFFF60];
	v4 =	vmul.f32 $8.000000000e+00, v4  }
0x76: {  	v10 =	vld [tilespmem:s28+$0xFFFFFF70];
	v5 =	vmul.f32 $8.000000000e+00, v5  }
0x77: {  	v11 =	vld [tilespmem:s28+$0xFFFFFF80];
	v6 =	vmul.f32 $8.000000000e+00, v6;
	v4 =	vadd.f32 v4, v3  }
0x78: {  	v12 =	vld [tilespmem:s28+$0xFFFFFF90];
	v7 =	vmul.f32 $8.000000000e+00, v7;
	v5 =	vadd.f32 v5, v2  }
0x79: {  	[tilespmem:s28+$0xFFFFFF10] =	vst v4;
	v4 =	vadd.f32 v6, v0;
	v6 =	vmul.f32 $8.000000000e+00, v8;
	v8 =	vld [tilespmem:s28+$0xFFFFFFA0]  }
0x7a: {  	v13 =	vld [tilespmem:s28+$0xFFFFFFB0];
	[tilespmem:s28+$0xFFFFFF20] =	vst v5;
	v5 =	vadd.f32 v7, v1;
	v7 =	vmul.f32 $8.000000000e+00, v9  }
0x7b: {  	v9 =	vmul.f32 $8.000000000e+00, v10;
	[tilespmem:s28+$0xFFFFFF30] =	vst v4;
	v6 =	vadd.f32 v6, v3;
	v4 =	vld [tilespmem:s28+$0xFFFFFFC0]  }
0x7c: {  	v10 =	vmul.f32 $8.000000000e+00, v11;
	[tilespmem:s28+$0xFFFFFF40] =	vst v5;
	v7 =	vadd.f32 v7, v2;
	v5 =	vld [tilespmem:s28+$0xFFFFFFD0]  }
0x7d: {  	v12 =	vmul.f32 $8.000000000e+00, v12;
	v11 =	vadd.f32 v9, v0;
	[tilespmem:s28+$0xFFFFFF50] =	vst v6;
	v6 =	vld [tilespmem:s28+$0xFFFFFFE0]  }
0x7e: {  	v9 =	vadd.f32 v10, v1;
	[tilespmem:s28+$0xFFFFFF60] =	vst v7;
	v7 =	vld [tilespmem:s28+$0x0];
	v10 =	vmul.f32 $8.000000000e+00, v8  }
0x7f: {  	s29 =	simm.s32 $0x0;
	s30 =	simm.s32 $0x22F0;
	[tilespmem:s28+$0xFFFFFF70] =	vst v11;
	v11 =	vadd.f32 v12, v3;
	v12 =	vmul.f32 $8.000000000e+00, v13;
	v8 =	vld [tilespmem:s28+$0xFFFFFFF0]  }
.LBB2_12:
0x80: {  	v13 =	vld [tilespmem:s30+$0xFFFFFF10];
	[tilespmem:s28+$0xFFFFFF80] =	vst v9;
	v9 =	vadd.f32 v10, v2;
	v4 =	vmul.f32 $8.000000000e+00, v4  }
0x81: {  	v10 =	vld [tilespmem:s30+$0xFFFFFF20];
	[tilespmem:s28+$0xFFFFFF90] =	vst v11;
	v11 =	vadd.f32 v12, v0;
	v5 =	vmul.f32 $8.000000000e+00, v5  }
0x82: {  	v12 =	vld [tilespmem:s30+$0xFFFFFF30];
	[tilespmem:s28+$0xFFFFFFA0] =	vst v9;
	v4 =	vadd.f32 v4, v1;
	v6 =	vmul.f32 $8.000000000e+00, v6  }
0x83: {  	v9 =	vld [tilespmem:s30+$0xFFFFFF40];
	[tilespmem:s28+$0xFFFFFFB0] =	vst v11;
	v5 =	vadd.f32 v5, v3;
	v7 =	vmul.f32 $8.000000000e+00, v7  }
0x84: {  	v11 =	vld [tilespmem:s30+$0xFFFFFF50];
	[tilespmem:s28+$0xFFFFFFC0] =	vst v4;
	v4 =	vadd.f32 v6, v2;
	v6 =	vmul.f32 $8.000000000e+00, v8  }
0x85: {  	v8 =	vmul.f32 $8.000000000e+00, v13;
	v13 =	vld [tilespmem:s30+$0xFFFFFF60];
	[tilespmem:s28+$0xFFFFFFD0] =	vst v5;
	v5 =	vadd.f32 v7, v1  }
0x86: {  	v7 =	vmul.f32 $8.000000000e+00, v10;
	v10 =	vld [tilespmem:s30+$0xFFFFFF70];
	[tilespmem:s28+$0xFFFFFFE0] =	vst v4;
	v4 =	vadd.f32 v6, v0  }
0x87: {  	v6 =	vadd.f32 v8, v3;
	v8 =	vmul.f32 $8.000000000e+00, v12;
	v12 =	vld [tilespmem:s30+$0xFFFFFF80];
	[tilespmem:s28+$0x0] =	vst v5  }
0x88: {  	v5 =	vadd.f32 v7, v2;
	v7 =	vmul.f32 $8.000000000e+00, v9;
	v9 =	vld [tilespmem:s30+$0xFFFFFF90];
	[tilespmem:s28+$0xFFFFFFF0] =	vst v4;
	s28 =	smov.u32 s30  }
0x89: {  	s29 =	sadd.s32 $0x4, s29;
	[tilespmem:s30+$0xFFFFFF10] =	vst v6;
	v4 =	vadd.f32 v8, v0;
	v6 =	vmul.f32 $8.000000000e+00, v11;
	v8 =	vld [tilespmem:s30+$0xFFFFFFA0]  }
0x8a: {  	p0 =	slt.u32 s29, $0x7C;
	[tilespmem:s30+$0xFFFFFF20] =	vst v5;
	v5 =	vadd.f32 v7, v1;
	v7 =	vmul.f32 $8.000000000e+00, v13;
	v13 =	vld [tilespmem:s30+$0xFFFFFFB0]  }
.Ltmp6:
0x8b: {  	[tilespmem:s30+$0xFFFFFF30] =	vst v4;
	v6 =	vadd.f32 v6, v3;
	v10 =	vmul.f32 $8.000000000e+00, v10;
	v4 =	vld [tilespmem:s30+$0xFFFFFFC0];
	(pc) =	sbr.rel @p0 .LBB2_12-.Ltmp6, $4  }
0x8c: {  	[tilespmem:s30+$0xFFFFFF40] =	vst v5;
	v7 =	vadd.f32 v7, v2;
	v11 =	vmul.f32 $8.000000000e+00, v12;
	v5 =	vld [tilespmem:s30+$0xFFFFFFD0]  }
0x8d: {  	[tilespmem:s30+$0xFFFFFF50] =	vst v6;
	v12 =	vadd.f32 v10, v0;
	v14 =	vmul.f32 $8.000000000e+00, v9;
	v6 =	vld [tilespmem:s30+$0xFFFFFFE0]  }
0x8e: {  	[tilespmem:s30+$0xFFFFFF60] =	vst v7;
	v9 =	vadd.f32 v11, v1;
	v10 =	vmul.f32 $8.000000000e+00, v8;
	v7 =	vld [tilespmem:s30+$0x0]  }
0x8f: {  	s30 =	sadd.s32 $0x100, s30;
	[tilespmem:s28+$0xFFFFFF70] =	vst v12;
	v11 =	vadd.f32 v14, v3;
	v12 =	vmul.f32 $8.000000000e+00, v13;
	v8 =	vld [tilespmem:s28+$0xFFFFFFF0]  }
0x90: {  	[tilespmem:s28+$0xFFFFFF80] =	vst v9;
	v57 =	vadd.f32 v10, v2;
	v4 =	vmul.f32 $8.000000000e+00, v4  }
0x91: {  	[tilespmem:s28+$0xFFFFFF90] =	vst v11;
	v58 =	vadd.f32 v12, v0;
	v5 =	vmul.f32 $8.000000000e+00, v5  }
0x92: {  	[tilespmem:s28+$0xFFFFFFA0] =	vst v57;
	v4 =	vadd.f32 v4, v1;
	v6 =	vmul.f32 $8.000000000e+00, v6  }
0x93: {  	s25 =	sadd.s32 $0x1, s25;
	[tilespmem:s28+$0xFFFFFFB0] =	vst v58;
	v3 =	vadd.f32 v5, v3;
	v59 =	vmul.f32 $8.000000000e+00, v7  }
0x94: {  	p0 =	sne.s32 s25, $0x64;
	[tilespmem:s28+$0xFFFFFFC0] =	vst v4;
	v60 =	vadd.f32 v6, v2;
	v61 =	vmul.f32 $8.000000000e+00, v8  }
.Ltmp7:
0x95: {  	s26 =	sshll.u32 s26, $0x12;
	[tilespmem:s28+$0xFFFFFFD0] =	vst v3;
	v62 =	vadd.f32 v59, v1;
	(pc) =	sbr.rel @p0 .LBB2_2-.Ltmp7, $4  }
0x96: {  	s26 =	sor.u32 s11, s26;
	[tilespmem:s28+$0xFFFFFFE0] =	vst v60;
	v63 =	vadd.f32 v61, v0  }
0x97: {  	s26 =	sshrl.u32 s26, $0x3;
	[tilespmem:s28+$0x0] =	vst v62  }
0x98: {  	s26 =	sadd.s32 s3, s26;
	[tilespmem:s28+$0xFFFFFFF0] =	vst v63  }
0x99: {  	[hbm4b:s26+s4] =	stream.linear.scatter [tilespmem:s19], [sflag:$0x6], $0x2000, $0x38;
	[tilespmem:$0x7300] =	vst v63  }
0x9a: {  	s24 =	sadd.s32 $0x1, s24  }
0x9b: {  	_ =	swait.ge [sflag:s23], $0x2000;
	p0 =	sne.s32 s24, s12  }
.Ltmp8:
0x9c: {  	[sflag:s23] =	ssyncset.done $0x0;
	(pc) =	sbr.rel @p0 .LBB2_1-.Ltmp8, $4  }
0x9d: {  	[sflag:s23] =	ssyncadd.s32 $0xFFFFE000  }
0x9e: {  	_ =	swait.ge [sflag:s22], $0x2000  }
0x9f: {  	[sflag:s22] =	ssyncset.done $0x0  }
0xa0: {  	[sflag:s22] =	ssyncadd.s32 $0xFFFFE000  }
0xa1: {  	_ =	sfence.sel $0x180000  }
0xa2: {  	[bflag:$0x0] =	sbarrier.arrive $0xFFFF  }
0xa3: {  	p0 =	sne.s32 s2, $0x0;
	_ =	strace $0x90000047  }
0xa4: {  	s0 =	sadd.s32 @!p0 $0x100000, s0;
	[bflag:$0x2] =	sbarrier.arrive $0xFFFF  }
0xa5: {  	[sflag:s0] =	ssyncadd.tile.s32 @!p0 $0x1;
	_ =	shalt  }
.Lfunc_end2:
_tile_overlayer_lowered:
.L_overlay_start_2:
0xa6: {  	(tag) =	ssettag $0x2  }
0xa7: {  	s0 =	rddreg [dreg:$0x0];
	s2 =	stileid.u32  }
0xa8: {  	s1 =	rddreg [dreg:$0x1];
	p0 =	sne.s32 s2, $0x0  }
0xa9: {  	s3 =	rddreg [dreg:$0x2];
	[bflag:$0x3] =	sbarrier.arrive $0xFFFF;
	s2 =	simm.s32 @!p0 $0x1C07  }
0xaa: {  	[timem:s3], [sflag:s2] =	dma.local @!p0 [hbm:s0], s1  }
0xab: {  	s0 =	simm.s32 @!p0 $0x7  }
0xac: {  	_ =	swait.ge @!p0 [sflag:s0], s1  }
0xad: {  	s1 =	ssub.s32 @!p0 $0x0, s1;
	[sflag:s0] =	ssyncset.done @!p0 $0x0  }
0xae: {  	[sflag:s0] =	ssyncadd.s32 @!p0 s1  }
0xaf: {  	[bflag:$0x3] =	sbarrier.arrive $0xFFFF  }
0xb0: {  	_ =	shalt  }

// kernel: sparse-core-data-format-call.cloned.1.call-start
scs
called_computation_lowered:
.L_overlay_start_0:
0x0: {  	s2 =	sld [smem:$0x3FD9]  }
0x1: {  	s3 =	sld [smem:$0x3FFE];
	_ =	sdelay $0x1  }
0x2: {  	s1 =	srdreg.scid  }
0x3: {  	s0 =	sand.u32 $0x1, s1  }
0x4: {  	s15 =	sshll.u32 s0, $0xA;
	s2 =	sadd.s32 s3, s2  }
0x5: {  	s2 =	sadd.s32 s2, s15  }
0x6: {  	[smem:$0x3FC6] =	sst s2  }
0x7: {  	_ = 	snop  }
0x8: {  	s2 =	sld [smem:$0x3FD0];
	_ =	sdelay $0x2  }
0x9: {  	s16 =	simm.s32 $0xA;
	s4 =	simm.s32 $0x10  }
0xa: {  	[smem:s4], [sflag:s16] =	dma.local [hbm:s2], $0x1  }
0xb: {  	_ =	swait.eq [sflag:s16], $0x1  }
0xc: {  	[sflag:s16] =	ssyncset.done $0x0  }
0xd: {  	[sflag:s16] =	ssyncadd.s32 $0xFFFFFFFF  }
0xe: {  	s17 =	sld [smem:$0x10];
	(tm) =	ssettm $0x1  }
0xf: {  	s18 =	sld [smem:$0x3FFB];
	_ =	sdelay $0x3  }
0x10: {  	_ =	strace s18  }
0x11: {  	s3 =	sld [smem:$0x3FFC];
	_ =	sdelay $0x3  }
0x12: {  	_ =	strace s3  }
0x13: {  	s3 =	sld [smem:$0x3FFD];
	_ =	sdelay $0x3  }
0x14: {  	_ =	strace s3  }
0x15: {  	_ =	strace $0x8FFFFFFF  }
0x16: {  	s19 =	sld [smem:$0x3FDB];
	_ =	sdelay $0x1  }
0x17: {  	s20 =	simm.s32 $_scs_section_size  }
0x18: {  	s5 =	simm.s32 $_size__tile_overlayer_lowered;
	s6 =	simm.s32 $_tile_overlayer_lowered  }
0x19: {  	s23 =	simm.s32 $0x1BFF;
	s22 =	sshll.u32 s6, $0x1;
	s3 =	sadd.s32 s20, s19  }
0x1a: {  	s7 =	simm.s32 $0x0;
	s21 =	sshll.u32 s5, $0x1;
	s5 =	sadd.s32 s22, s3  }
0x1b: {  	[timem:s7], [sflag:s23] =	dma.local [hbm:s5], s21  }
0x1c: {  	_ =	swait.ge [sflag:s23], s21  }
0x1d: {  	s4 =	ssub.s32 $0x0, s21;
	[sflag:s23] =	ssyncset.done $0x0  }
0x1e: {  	[sflag:s23] =	ssyncadd.s32 s4;
	_ =	sdelay $0x1  }
0x1f: {  	s24 =	simm.s32 $0x1B8B  }
0x20: {  	_ =	swait.ge [sflag:s24], $0x1  }
0x21: {  	[sflag:s24] =	ssyncset.done $0x0  }
0x22: {  	s26 =	simm.s32 $0x1B8E;
	s25 =	sld [smem:$0x3FFE];
	[sflag:s24] =	ssyncadd.s32 $0xFFFFFFFF  }
0x23: {  	s27 =	simm.s32 $execute0_lowered;
	[smem:$0x3FD2] =	sst s26  }
0x24: {  	s5 =	sshll.u32 s27, $0x1;
	_ =	strace $0x80000049;
	[dreg:$0x1] =	wrdreg $0xFFFFFFFF  }
0x25: {  	s28 =	simm.s32 $_size_execute0_lowered;
	s3 =	sadd.s32 s3, s5;
	[dreg:$0x0] =	wrdreg $0x0  }
0x26: {  	s5 =	sshll.u32 s28, $0x1;
	[dreg:$0x2] =	wrdreg s3  }
0x27: {  	[dreg:$0x3] =	wrdreg s5  }
0x28: {  	[dreg:$0x4] =	wrdreg $0xC0  }
0x29: {  	_ =	task [dreg:s7], $0x5FFFF  }
0x2a: {  	[dreg:$0x1] =	wrdreg $0xFFFFFFFF  }
0x2b: {  	[dreg:$0x0] =	wrdreg $0x60  }
0x2c: {  	[dreg:$0x2] =	wrdreg s25  }
0x2d: {  	[dreg:$0x3] =	wrdreg s17  }
0x2e: {  	[dreg:$0x4] =	wrdreg $0x9  }
0x2f: {  	_ =	task.clear_ibuf [dreg:s7], $0x5FFFF;
	_ =	strace $0x90000049  }
0x30: {  	s29 =	simm.s32 $0x9;
	_ =	strace $0x8000004B  }
0x31: {  	_ =	swait.ge [sflag:s29], $0x1  }
0x32: {  	[sflag:s29] =	ssyncadd.s32 $0xFFFFFFFF  }
0x33: {  	_ =	strace $0x9000004B  }
0x34: {  	_ =	sfence  }
0x35: {  	s30 =	sld [smem:$0x0];
	_ =	sdelay $0x2  }
0x36: {  	s31 =	sshll.u32 s1, $0xD;
	s1 =	sshrl.u32 s1, $0x2  }
0x37: {  	s3 =	sand.u32 $0x4000, s31;
	s1 =	sadd.s32 s1, s30  }
0x38: {  	s0 =	sor.u32 s3, s0;
	s1 =	sshll.u32 s1, $0x11  }
0x39: {  	s0 =	sor.u32 s1, s0  }
0x3a: {  	s0 =	sadd.s32 $0x8F2B, s0  }
0x3b: {  	[sflag:s0] =	ssyncadd.remote.s32 $0x1  }
0x3c: {  	_ =	sfence.sel $0xFFFF  }
0x3d: {  	[dreg:$0x0] =	wrdreg $0xFFFFFFFF;
	(pc) =	sbr.abs _section_cstart, $3  }
0x3e: {  	[dreg:$0x1] =	wrdreg $0xFFFFFFFF  }
0x3f: {  	_ =	task.clear_ibuf [dreg:s7], $0x2FFFF;
	_ =	strace $0x9FFFFFFF  }
0x40: {  	(tm) =	ssettm $0x7FFFFFFF  }
0x41: {  	_ =	shalt  }
tec
execute0_lowered:
.L_overlay_start_1:
0x0: {  	(tag) =	ssettag $0x1  }
0x1: {  	s0 =	srdreg.scid  }
0x2: {  	s1 =	sshll.u32 s0, $0x4  }
0x3: {  	s5 =	rddreg [dreg:$0x0];
	s0 =	stileid.u32;
	s1 =	sand.u32 $0x10, s1  }
0x4: {  	s3 =	rddreg [dreg:$0x1];
	s31 =	simm.s32 $0x2;
	s4 =	sor.u32 s0, s1  }
0x5: {  	s13 =	simm.s32 $0x0;
	s9 =	simm.s32 $0x400;
	s2 =	sshll.u32 s4, $0x7  }
0x6: {  	s10 =	simm.s32 $0x8000;
	s14 =	simm.s32 $0x0;
	s6 =	ssub.s32 $0x1000, s2  }
0x7: {  	s1 =	rddreg [dreg:$0x2];
	_ =	strace $0x8000004A;
	s7 =	sand.u32 $0xF80, s6  }
0x8: {  	s4 =	sshll.u32 s4, $0xB;
	p0 =	sne.s32 s7, $0x0;
	s7 =	simm.s32 $0x1  }
.Ltmp0:
0x9: {  	s6 =	sshrl.u32 s6, $0xC;
	s7 =	simm.s32 @!p0 $0x0;
	(pc) =	sbr.rel .LBB1_1-.Ltmp0, $4  }
0xa: {  	s8 =	sadd.s32 s4, s5;
	s4 =	simm.s32 $0x1;
	s30 =	sadd.s32 s7, s6  }
0xb: {  	s11 =	simm.s32 $0x0;
	[sflag:s4] =	ssyncpa.u1 $0x0;
	s5 =	smul.u32 $0x64, s30  }
0xc: {  	s12 =	simm.s32 $0x0;
	[sflag:s31] =	ssyncpa.u1 $0x0;
	p0 =	por $0x0, $0x0  }
0xd: {  	s6 =	sadd.s32 $0xC00, s8;
	s7 =	sadd.s32 $0x10C00, s8;
	s8 =	sor.u32 $0x1, s5  }
.LBB1_7:
0xe: {  	s15 =	sadd.s32 $0x2, s11  }
0xf: {  	p2 =	sgt.s32 s15, $0xC7  }
0x10: {  	s15 =	simm.s32 @p2 $0x0;
	p2 =	sne.s32 s12, s8  }
.Ltmp1:
0x11: {  	p1 =	slt.u32 s12, $0x2;
	(pc) =	sbr.rel @!p2 .LBB1_8-.Ltmp1, $4  }
0x12: {  	s13 =	simm.s32 @!p1 $0x2  }
0x13: {  	s16 =	sadd.s32 $0x1, s12;
	s14 =	smov.u32 s11;
	_ =	swait.ge @!p1 [sflag:s13], $0x4000  }
0x14: {  	p0 =	por !p0, !p0;
	s12 =	smov.u32 s16;
	[sflag:s13] =	ssyncset.done @!p1 $0x0  }
0x15: {  	s11 =	smov.u32 s15;
	[sflag:s13] =	ssyncadd.s32 @!p1 $0xFFFFC000;
	s13 =	smov.u32 s2  }
.LBB1_1:
0x16: {  	p1 =	sge.u32 s12, s5  }
0x17: {  	s15 =	sxor.u32 @!p1 $0xFFFFFFFF, s12  }
0x18: {  	s16 =	sshll.u32 @!p1 s11, $0x10;
	s18 =	simm.s32 @!p1 $0x40;
	s15 =	sshll.u32 @!p1 s15, $0xE  }
0x19: {  	s19 =	simm.s32 @!p1 $0x80;
	s17 =	sadd.s32 @!p1 s16, s6;
	s15 =	sand.u32 @!p1 $0x4000, s15  }
0x1a: {  	[tilespmem:s15], [sflag:$0x1] =	stream.strided.gather @!p1 [hbm4b:s17+s18], $0x2000, s19, s18, $0x38;
	[tilespmem:$0x10100] =	vst v63  }
0x1b: {  	s31 =	sadd.s32 $0xFFFFFFFF, s12;
	s16 =	sadd.s32 @!p1 s16, s7;
	s15 =	sor.u32 @!p1 $0x2000, s15  }
0x1c: {  	[tilespmem:s15], [sflag:$0x1] =	stream.strided.gather @!p1 [hbm4b:s16+s18], $0x2000, s19, s18, $0x38;
	[tilespmem:$0x10100] =	vst v63  }
0x1d: {  	p1 =	sge.u32 s31, s5  }
.Ltmp2:
0x1e: {  	_ = 	snop;
	(pc) =	sbr.rel @p1 .LBB1_7-.Ltmp2, $1  }
0x1f: {  	_ =	sdelay $0x3  }
0x20: {  	s15 =	simm.s32 $0x1;
	s17 =	sand.u32 $0x1, s12  }
0x21: {  	_ =	swait.ge [sflag:s4], $0x4000;
	s15 =	simm.s32 @!p0 $0x0;
	s17 =	smul.u32 $0x10200, s17  }
0x22: {  	p2 =	por $0x1, $0x1;
	[sflag:s4] =	ssyncset.done $0x0;
	s16 =	smul.u32 $0x10200, s15  }
0x23: {  	s18 =	sshll.u32 s15, $0x10;
	[sflag:s4] =	ssyncadd.s32 $0xFFFFC000;
	s30 =	sshrl.u32 s17, $0x2  }
0x24: {  	s31 =	sshrl.u32 s18, $0x2;
	s18 =	simm.s32 $0x0;
	s16 =	sshrl.u32 s16, $0x2  }
0x25: {  	s15 =	sor.u32 $0x8000, s30;
	s17 =	sadd.s32 $0x20, s31;
	s16 =	sor.u32 $0x8000, s16  }
.LBB1_3:
0x26: {  	s19 =	sshll.u32 s18, $0xD  }
0x27: {  	s19 =	sand.u32 $0x3FFFE000, s19  }
0x28: {  	s21 =	sadd.s32 s19, s17  }
0x29: {  	s31 =	smul.u32 $0x8100, s18;
	v3 =	vld [tilespmem:s21+$0x10]  }
0x2a: {  	v1 =	vld [tilespmem:s21+$0xFFFFFFF0]  }
0x2b: {  	s18 =	sshra.s32 s31, $0x2;
	v0 =	vld [tilespmem:s21+$0x0]  }
0x2c: {  	s18 =	sadd.s32 s18, s16;
	v2 =	vld [tilespmem:s21+$0xFFFFFFE0]  }
0x2d: {  	s19 =	sadd.s32 $0x0, s18  }
0x2e: {  	p1 =	por p2, p2;
	s20 =	simm.s32 $0x4;
	s21 =	sadd.s32 $0x40, s21;
	[tilespmem:s19+$0x1830 ss:$0x81] =	vst.msk $0xffff, v3  }
.LBB1_4:
0x2f: {  	v3 =	vld [tilespmem:s21+$0x10];
	p2 =	sne.s32 s20, $0x1FC;
	[tilespmem:s19+$0x810 ss:$0x81] =	vst.msk $0xffff, v1;
	s22 =	smov.u32 s20;
	s20 =	sadd.s32 $0x4, s20  }
.Ltmp3:
0x30: {  	v1 =	vld [tilespmem:s21+$0xFFFFFFF0];
	[tilespmem:s19+$0x1020 ss:$0x81] =	vst.msk $0xffff, v0;
	(pc) =	sbr.rel @p2 .LBB1_4-.Ltmp3, $4  }
0x31: {  	v0 =	vld [tilespmem:s21+$0x0];
	[tilespmem:s19+$0x0 ss:$0x81] =	vst.msk $0xffff, v2  }
0x32: {  	s19 =	sshra.s32 s22, $0x2;
	v2 =	vld [tilespmem:s21+$0xFFFFFFE0]  }
0x33: {  	s19 =	sadd.s32 s19, s18  }
0x34: {  	s21 =	sadd.s32 $0x40, s21;
	[tilespmem:s19+$0x1830 ss:$0x81] =	vst.msk $0xffff, v3  }
.Ltmp4:
0x35: {  	(pc) =	sbr.rel @p1 .LBB1_3-.Ltmp4, $4  }
0x36: {  	_ = 	snop  }
0x37: {  	[tilespmem:s19+$0x810 ss:$0x81] =	vst.msk $0xffff, v1  }
0x38: {  	[tilespmem:s19+$0x1020 ss:$0x81] =	vst.msk $0xffff, v0  }
0x39: {  	s18 =	simm.s32 $0x1;
	p2 =	por $0x0, $0x0;
	[tilespmem:s19+$0x0 ss:$0x81] =	vst.msk $0xffff, v2  }
.Ltmp5:
0x3a: {  	(pc) =	sbr.rel .LBB1_7-.Ltmp5, $4  }
0x3b: {  	s14 =	sshll.u32 s14, $0xF  }
0x3c: {  	s14 =	sadd.s32 s3, s14  }
0x3d: {  	s13 =	sadd.s32 s13, s14  }
0x3e: {  	[hbm4b:s13+s9] =	stream.strided.scatter [tilespmem:s15], [sflag:$0x2], $0x4000, s10, s9, $0x20;
	[tilespmem:$0x10100] =	vst v63  }
.LBB1_8:
0x3f: {  	_ =	sfence.sel $0x180000  }
0x40: {  	s2 =	simm.s32 $0x1;
	[bflag:$0x0] =	sbarrier.arrive $0xFFFF  }
0x41: {  	s31 =	simm.s32 $0x2;
	[sflag:s2] =	ssyncpa.u1 $0x1  }
0x42: {  	[sflag:s31] =	ssyncpa.u1 $0x1  }
0x43: {  	p0 =	sne.s32 s0, $0x0;
	_ =	strace $0x9000004A  }
0x44: {  	s0 =	sadd.s32 @!p0 $0x100000, s1;
	[bflag:$0x2] =	sbarrier.arrive $0xFFFF  }
0x45: {  	[sflag:s0] =	ssyncadd.tile.s32 @!p0 $0x1;
	_ =	shalt  }
.Lfunc_end1:
_tile_overlayer_lowered:
.L_overlay_start_2:
0x46: {  	(tag) =	ssettag $0x2  }
0x47: {  	s0 =	rddreg [dreg:$0x0];
	s2 =	stileid.u32  }
0x48: {  	s1 =	rddreg [dreg:$0x1];
	p0 =	sne.s32 s2, $0x0  }
0x49: {  	s3 =	rddreg [dreg:$0x2];
	[bflag:$0x3] =	sbarrier.arrive $0xFFFF;
	s2 =	simm.s32 @!p0 $0x1C01  }
0x4a: {  	[timem:s3], [sflag:s2] =	dma.local @!p0 [hbm:s0], s1  }
0x4b: {  	s0 =	simm.s32 @!p0 $0x1  }
0x4c: {  	_ =	swait.ge @!p0 [sflag:s0], s1  }
0x4d: {  	s1 =	ssub.s32 @!p0 $0x0, s1;
	[sflag:s0] =	ssyncset.done @!p0 $0x0  }
0x4e: {  	[sflag:s0] =	ssyncadd.s32 @!p0 s1  }
0x4f: {  	[bflag:$0x3] =	sbarrier.arrive $0xFFFF  }
0x50: {  	_ =	shalt  }

</sc_bundles>
